<compile_context>
chip_gen: v7x
topology: tpu7x:2x2x1
jax: 0.10.2.dev20260603
libtpu: 0.0.44.dev20260713+nightly
codegen_flags: <defaults>
</compile_context>

<pallas_src>
import functools

import jax
import jax.numpy as jnp
from jax import lax
from jax.experimental import pallas as pl
from jax.experimental.pallas import tpu as pltpu
from jax.experimental.pallas import tpu_sc as plsc

N = 10000
E = 320000
D = 128

NC = 2
NS = 16
NW = NC * NS
L = 16

EPAD = 327680
EP = EPAD // NW
K = 128
SCH = 20
NSUP = EP // (K * SCH)

NPAD = 10240
NP = NPAD // NS
PC = 32
NPC = NP // PC

TB = 1024


def _sc_kernels():
    mesh = plsc.VectorSubcoreMesh(
        core_axis_name="c", subcore_axis_name="s",
        num_cores=NC, num_subcores=NS)

    def _zero_acc(node0, zstage, acc_sp):
        zeros16 = jnp.zeros((L,), jnp.float32)

        def _zb(i, _):
            for v in range(D // L):
                zstage[i, pl.ds(v * L, L)] = zeros16
            return 0
        lax.fori_loop(0, PC, _zb, 0)

        def _zs(t, _):
            sl = pl.ds(pl.multiple_of(node0 + t * PC, PC), PC)
            pltpu.sync_copy(zstage, acc_sp.at[sl])
            return 0
        lax.fori_loop(0, NPC, _zs, 0)

    def _acc_out(c, node0, zstage, acc_sp, out_h):
        def _wb(t, _):
            sl = pl.ds(pl.multiple_of(node0 + t * PC, PC), PC)
            pltpu.sync_copy(acc_sp.at[sl], zstage)
            pltpu.sync_copy(zstage, out_h.at[c, sl])
            return 0
        lax.fori_loop(0, NPC, _wb, 0)

    @functools.partial(
        pl.kernel, mesh=mesh,
        out_type=jax.ShapeDtypeStruct((NC, NPAD, D), jnp.float32),
        scratch_types=[
            pltpu.VMEM_SHARED((NPAD, D), jnp.float32),
            pltpu.VMEM((SCH, K), jnp.int32),
            pltpu.VMEM((K, D), jnp.float32),
            pltpu.VMEM((PC, D), jnp.float32),
            pltpu.SemaphoreType.DMA,
        ])
    def histogram(cols4, out_h, acc_sp, cols_sc, ones_b, zstage, sems):
        c = lax.axis_index("c")
        s = lax.axis_index("s")
        wid = s * NC + c
        node0 = s * NP

        ones16 = jnp.ones((L,), jnp.float32)

        def _fo(i, _):
            for v in range(D // L):
                ones_b[i, pl.ds(v * L, L)] = ones16
            return 0
        lax.fori_loop(0, K, _fo, 0)
        _zero_acc(node0, zstage, acc_sp)
        plsc.subcore_barrier()

        def _sup(sup, _):
            pltpu.sync_copy(cols4.at[wid, sup], cols_sc)
            descs = [
                pltpu.async_copy(ones_b, acc_sp.at[cols_sc.at[j]], sems,
                                 add=True)
                for j in range(SCH)
            ]
            for d in descs:
                d.wait()
            return 0
        lax.fori_loop(0, NSUP, _sup, 0)
        plsc.subcore_barrier()
        _acc_out(c, node0, zstage, acc_sp, out_h)

    @functools.partial(
        pl.kernel, mesh=mesh,
        out_type=jax.ShapeDtypeStruct((NC, NPAD, D), jnp.float32),
        scratch_types=[
            pltpu.VMEM_SHARED((NPAD, D), jnp.float32),
            pltpu.VMEM((SCH, K), jnp.int32),
            pltpu.VMEM((SCH, K), jnp.int32),
            pltpu.VMEM((K, D), jnp.float32),
            pltpu.VMEM((K, D), jnp.float32),
            pltpu.VMEM((PC, D), jnp.float32),
            pltpu.SemaphoreType.DMA,
            pltpu.SemaphoreType.DMA,
        ])
    def propagate(xs_hbm, rows4, cols4, out_h,
                  acc_sp, rows_sc, cols_sc, stage0, stage1, zstage,
                  semg, sems):
        c = lax.axis_index("c")
        s = lax.axis_index("s")
        wid = s * NC + c
        node0 = s * NP

        _zero_acc(node0, zstage, acc_sp)
        plsc.subcore_barrier()

        def _sup(sup, _):
            pltpu.sync_copy(rows4.at[wid, sup], rows_sc)
            pltpu.sync_copy(cols4.at[wid, sup], cols_sc)

            def _edges(j, _):
                pltpu.async_copy(xs_hbm.at[rows_sc.at[j]], stage0,
                                 semg).wait()
                pltpu.sync_copy(stage0, acc_sp.at[cols_sc.at[j]], add=True)
                return 0
            lax.fori_loop(0, SCH, _edges, 0)
            return 0
        lax.fori_loop(0, NSUP, _sup, 0)
        plsc.subcore_barrier()
        _acc_out(c, node0, zstage, acc_sp, out_h)

    return histogram, propagate


_histogram, _propagate = _sc_kernels()


def _prescale_tc(p0, p1, x, o_xs, o_dis):
    dis = lax.rsqrt(p0[0] + p1[0] + 1.0)
    o_dis[...] = dis
    o_xs[...] = dis * x[...]


def _combine_tc(q0, q1, xs, dis, bias, o):
    o[...] = dis[...] * (q0[0] + q1[0] + xs[...]) + bias[...]


@jax.jit
def kernel(x, edge_index, bias):
    xpad = jnp.pad(x, ((0, NPAD - N), (0, 0)))
    npad_e = EPAD - E
    pad_rows = jnp.zeros((npad_e,), jnp.int32)
    pad_cols = N + (jnp.arange(npad_e, dtype=jnp.int32) % (NPAD - N))
    rows4 = jnp.concatenate([edge_index[0], pad_rows]).reshape(
        NW, NSUP, SCH, K)
    cols4 = jnp.concatenate([edge_index[1], pad_cols]).reshape(
        NW, NSUP, SCH, K)

    deg_parts = _histogram(cols4)

    blk = pl.BlockSpec((TB, D), lambda i: (i, 0))
    xs, dis = pl.pallas_call(
        _prescale_tc,
        grid=(NPAD // TB,),
        in_specs=[pl.BlockSpec((1, TB, D), lambda i: (0, i, 0)),
                  pl.BlockSpec((1, TB, D), lambda i: (1, i, 0)),
                  blk],
        out_specs=[blk, blk],
        out_shape=[jax.ShapeDtypeStruct((NPAD, D), jnp.float32),
                   jax.ShapeDtypeStruct((NPAD, D), jnp.float32)],
    )(deg_parts, deg_parts, xpad)

    acc_parts = _propagate(xs, rows4, cols4)

    out = pl.pallas_call(
        _combine_tc,
        grid=(NPAD // TB,),
        in_specs=[pl.BlockSpec((1, TB, D), lambda i: (0, i, 0)),
                  pl.BlockSpec((1, TB, D), lambda i: (1, i, 0)),
                  blk, blk,
                  pl.BlockSpec((1, D), lambda i: (0, 0))],
        out_specs=blk,
        out_shape=jax.ShapeDtypeStruct((NPAD, D), jnp.float32),
    )(acc_parts, acc_parts, xs, dis, bias.reshape(1, D))

    return (out[:N], x)

# --- scband reference (transcript-rebuilt; emitter-appended) ---
"""Pipeline reference for scband-message-passing-encoder-27642409517239 (READ-ONLY COPY).

The authoritative reference and input builder live on the scoring server;
editing this copy changes nothing except your own understanding.
"""

import jax, jax.numpy as jnp
import numpy as np

N = 10000
E = 320000
D = 128


def setup_inputs(seed: int = 0) -> dict:
    key = jax.random.key(seed)
    k1, k2 = jax.random.split(key, 2)
    x = jax.random.normal(k1, (N, D), dtype=jnp.float32)
    edge_index = jax.random.randint(k2, (2, E), 0, N, dtype=jnp.int32)
    bias = jnp.zeros((D,), dtype=jnp.float32)
    return {"x": x, "edge_index": edge_index, "bias": bias}


def reference(x, edge_index, bias):
    # init_embedding is Identity (disable_init_embedding=True)
    init_embeds = x
    num_nodes = init_embeds.shape[0]
    # add_self_loops
    loops = jnp.arange(num_nodes, dtype=edge_index.dtype)
    ei = jnp.concatenate([edge_index, jnp.stack([loops, loops], axis=0)], axis=1)
    row, col = ei[0], ei[1]
    # degree of col (dst) nodes
    deg = jax.ops.segment_sum(jnp.ones(ei.shape[1], dtype=init_embeds.dtype), col, num_segments=num_nodes)
    deg_inv_sqrt = jnp.where(deg > 0, jax.lax.rsqrt(jnp.maximum(deg, 1e-30)), 0.0)
    norm = deg_inv_sqrt[row] * deg_inv_sqrt[col]
    # message: norm * x_j (source features), aggregate 'add' at dst (col)
    msgs = norm[:, None] * init_embeds[row]
    out = jax.ops.segment_sum(msgs, col, num_segments=num_nodes)
    out = out + bias
    return (out, init_embeds)

if __name__ == "__main__":
    import jax
    _d = setup_inputs()
    print(jax.jit(kernel)(*tuple(_d.values())))

</pallas_src>

<mosaic_0001>
#map = affine_map<(d0, d1) -> (0, 0)>
#map1 = affine_map<(d0, d1) -> (0, 0, 0, 0)>
#map2 = affine_map<(d0, d1) -> (0, 0, 0)>
module attributes {stable_mosaic.version = 14 : i64} {
  func.func @propagate(%arg0: i32, %arg1: i32, %arg2: memref<10240x128xf32, #tpu.memory_space<hbm>>, %arg3: memref<32x4x20x128xi32, #tpu.memory_space<hbm>>, %arg4: memref<32x4x20x128xi32, #tpu.memory_space<hbm>>, %arg5: memref<2x10240x128xf32, #tpu.memory_space<hbm>>, %arg6: memref<10240x128xf32, #tpu.memory_space<vmem_shared>>, %arg7: memref<20x128xi32, #tpu.memory_space<vmem>>, %arg8: memref<20x128xi32, #tpu.memory_space<vmem>>, %arg9: memref<128x128xf32, #tpu.memory_space<vmem>>, %arg10: memref<128x128xf32, #tpu.memory_space<vmem>>, %arg11: memref<32x128xf32, #tpu.memory_space<vmem>>, %arg12: memref<!tpu.dma_semaphore, #tpu.memory_space<semaphore_mem>>, %arg13: memref<!tpu.dma_semaphore, #tpu.memory_space<semaphore_mem>>) attributes {dimension_semantics = [#tpu.dimension_semantics<core_parallel>, #tpu.dimension_semantics<subcore_parallel>], iteration_bounds = array<i64: 2, 16>, scalar_prefetch = 0 : i64, scratch_operands = 8 : i64, tpu.core_type = #tpu.core_type<sc_vector_subcore>, window_params = [{transform_indices = #map}, {transform_indices = #map1}, {transform_indices = #map1}, {transform_indices = #map2}]} {
    %mul3A = arith.constant 2 : i32
    %mul3A_0 = arith.muli %arg1, %mul3A : i32
    %add3A = arith.addi %mul3A_0, %arg0 : i32
    %mul3A_1 = arith.constant 640 : i32
    %mul3A_2 = arith.muli %arg1, %mul3A_1 : i32
    %broadcast_in_dim3A = arith.constant 0.000000e+00 : f32
    %broadcast_in_dim3A_3 = vector.broadcast %broadcast_in_dim3A : f32 to vector<16xf32>
    %scan3A = arith.constant 0 : i32
    %scan3A_4 = arith.constant 0 : i32
    %scan3A_5 = arith.constant 32 : i32
    %scan3A_6 = arith.addi %scan3A_4, %scan3A_5 : i32
    %scan3A_7 = arith.constant 1 : i32
    %scan3A_8 = scf.for %scan3A_32 = %scan3A_4 to %scan3A_6 step %scan3A_7 iter_args(%scan3A_33 = %scan3A) -> (i32)  : i32 {
      %swap3A = arith.index_cast %scan3A_32 : i32 to index
      %swap3A_34 = arith.constant 0 : index
      %swap3A_35 = tpu.vector_load %arg11[%swap3A, %swap3A_34] {strides = array<i32>} : memref<32x128xf32, #tpu.memory_space<vmem>>, vector<1x16xf32>,
      %swap3A_36 = vector.shape_cast %swap3A_35 : vector<1x16xf32> to vector<16xf32>
      %swap3A_37 = vector.shape_cast %broadcast_in_dim3A_3 : vector<16xf32> to vector<1x16xf32>
      tpu.vector_store %arg11[%swap3A, %swap3A_34], %swap3A_37 {strides = array<i32>} : memref<32x128xf32, #tpu.memory_space<vmem>>, vector<1x16xf32>,
      %swap3A_38 = arith.index_cast %scan3A_32 : i32 to index
      %swap3A_39 = arith.constant 16 : index
      %swap3A_40 = tpu.vector_load %arg11[%swap3A_38, %swap3A_39] {strides = array<i32>} : memref<32x128xf32, #tpu.memory_space<vmem>>, vector<1x16xf32>,
      %swap3A_41 = vector.shape_cast %swap3A_40 : vector<1x16xf32> to vector<16xf32>
      %swap3A_42 = vector.shape_cast %broadcast_in_dim3A_3 : vector<16xf32> to vector<1x16xf32>
      tpu.vector_store %arg11[%swap3A_38, %swap3A_39], %swap3A_42 {strides = array<i32>} : memref<32x128xf32, #tpu.memory_space<vmem>>, vector<1x16xf32>,
      %swap3A_43 = arith.index_cast %scan3A_32 : i32 to index
      %swap3A_44 = arith.constant 32 : index
      %swap3A_45 = tpu.vector_load %arg11[%swap3A_43, %swap3A_44] {strides = array<i32>} : memref<32x128xf32, #tpu.memory_space<vmem>>, vector<1x16xf32>,
      %swap3A_46 = vector.shape_cast %swap3A_45 : vector<1x16xf32> to vector<16xf32>
      %swap3A_47 = vector.shape_cast %broadcast_in_dim3A_3 : vector<16xf32> to vector<1x16xf32>
      tpu.vector_store %arg11[%swap3A_43, %swap3A_44], %swap3A_47 {strides = array<i32>} : memref<32x128xf32, #tpu.memory_space<vmem>>, vector<1x16xf32>,
      %swap3A_48 = arith.index_cast %scan3A_32 : i32 to index
      %swap3A_49 = arith.constant 48 : index
      %swap3A_50 = tpu.vector_load %arg11[%swap3A_48, %swap3A_49] {strides = array<i32>} : memref<32x128xf32, #tpu.memory_space<vmem>>, vector<1x16xf32>,
      %swap3A_51 = vector.shape_cast %swap3A_50 : vector<1x16xf32> to vector<16xf32>
      %swap3A_52 = vector.shape_cast %broadcast_in_dim3A_3 : vector<16xf32> to vector<1x16xf32>
      tpu.vector_store %arg11[%swap3A_48, %swap3A_49], %swap3A_52 {strides = array<i32>} : memref<32x128xf32, #tpu.memory_space<vmem>>, vector<1x16xf32>,
      %swap3A_53 = arith.index_cast %scan3A_32 : i32 to index
      %swap3A_54 = arith.constant 64 : index
      %swap3A_55 = tpu.vector_load %arg11[%swap3A_53, %swap3A_54] {strides = array<i32>} : memref<32x128xf32, #tpu.memory_space<vmem>>, vector<1x16xf32>,
      %swap3A_56 = vector.shape_cast %swap3A_55 : vector<1x16xf32> to vector<16xf32>
      %swap3A_57 = vector.shape_cast %broadcast_in_dim3A_3 : vector<16xf32> to vector<1x16xf32>
      tpu.vector_store %arg11[%swap3A_53, %swap3A_54], %swap3A_57 {strides = array<i32>} : memref<32x128xf32, #tpu.memory_space<vmem>>, vector<1x16xf32>,
      %swap3A_58 = arith.index_cast %scan3A_32 : i32 to index
      %swap3A_59 = arith.constant 80 : index
      %swap3A_60 = tpu.vector_load %arg11[%swap3A_58, %swap3A_59] {strides = array<i32>} : memref<32x128xf32, #tpu.memory_space<vmem>>, vector<1x16xf32>,
      %swap3A_61 = vector.shape_cast %swap3A_60 : vector<1x16xf32> to vector<16xf32>
      %swap3A_62 = vector.shape_cast %broadcast_in_dim3A_3 : vector<16xf32> to vector<1x16xf32>
      tpu.vector_store %arg11[%swap3A_58, %swap3A_59], %swap3A_62 {strides = array<i32>} : memref<32x128xf32, #tpu.memory_space<vmem>>, vector<1x16xf32>,
      %swap3A_63 = arith.index_cast %scan3A_32 : i32 to index
      %swap3A_64 = arith.constant 96 : index
      %swap3A_65 = tpu.vector_load %arg11[%swap3A_63, %swap3A_64] {strides = array<i32>} : memref<32x128xf32, #tpu.memory_space<vmem>>, vector<1x16xf32>,
      %swap3A_66 = vector.shape_cast %swap3A_65 : vector<1x16xf32> to vector<16xf32>
      %swap3A_67 = vector.shape_cast %broadcast_in_dim3A_3 : vector<16xf32> to vector<1x16xf32>
      tpu.vector_store %arg11[%swap3A_63, %swap3A_64], %swap3A_67 {strides = array<i32>} : memref<32x128xf32, #tpu.memory_space<vmem>>, vector<1x16xf32>,
      %swap3A_68 = arith.index_cast %scan3A_32 : i32 to index
      %swap3A_69 = arith.constant 112 : index
      %swap3A_70 = tpu.vector_load %arg11[%swap3A_68, %swap3A_69] {strides = array<i32>} : memref<32x128xf32, #tpu.memory_space<vmem>>, vector<1x16xf32>,
      %swap3A_71 = vector.shape_cast %swap3A_70 : vector<1x16xf32> to vector<16xf32>
      %swap3A_72 = vector.shape_cast %broadcast_in_dim3A_3 : vector<16xf32> to vector<1x16xf32>
      tpu.vector_store %arg11[%swap3A_68, %swap3A_69], %swap3A_72 {strides = array<i32>} : memref<32x128xf32, #tpu.memory_space<vmem>>, vector<1x16xf32>,
      %scan3A_73 = arith.constant 0 : i32
      scf.yield %scan3A_73 : i32
    }
    %scan3A_9 = arith.constant 32 : i32
    %scan3A_10 = arith.constant 0 : i32
    %scan3A_11 = arith.constant 0 : i32
    %scan3A_12 = arith.constant 20 : i32
    %scan3A_13 = arith.addi %scan3A_11, %scan3A_12 : i32
    %scan3A_14 = arith.constant 1 : i32
    %scan3A_15 = scf.for %scan3A_32 = %scan3A_11 to %scan3A_13 step %scan3A_14 iter_args(%scan3A_33 = %scan3A_10) -> (i32)  : i32 {
      %mul3A_34 = arith.constant 32 : i32
      %mul3A_35 = arith.muli %scan3A_32, %mul3A_34 : i32
      %add3A_36 = arith.addi %mul3A_2, %mul3A_35 : i32
      %multiple_of3A = tpu.assume_multiple %add3A_36, 32 : i32
      "tpu.region"() ({
        %run_scoped3A = tpu.sem_alloc : memref<!tpu.dma_semaphore, #tpu.memory_space<semaphore_mem>>
        %dma_start3A = arith.constant 0 : i32
        %dma_start3A_38 = tpu.memref_slice %arg6[%multiple_of3A, %dma_start3A] : memref<10240x128xf32, #tpu.memory_space<vmem_shared>> -> memref<32x128xf32, #tpu.memory_space<vmem_shared>>
        %dma_start3A_39 = arith.constant 0 : i32
        %dma_start3A_40 = tpu.memref_slice %arg6[%multiple_of3A, %dma_start3A_39] : memref<10240x128xf32, #tpu.memory_space<vmem_shared>> -> memref<32x128xf32, #tpu.memory_space<vmem_shared>>
        tpu.enqueue_dma source(%arg11 : memref<32x128xf32, #tpu.memory_space<vmem>>) target(%dma_start3A_40 : memref<32x128xf32, #tpu.memory_space<vmem_shared>>) target_semaphore(%run_scoped3A : memref<!tpu.dma_semaphore, #tpu.memory_space<semaphore_mem>>)
        %dma_wait3A = arith.constant 0 : i32
        %dma_wait3A_41 = tpu.memref_slice %arg6[%multiple_of3A, %dma_wait3A] : memref<10240x128xf32, #tpu.memory_space<vmem_shared>> -> memref<32x128xf32, #tpu.memory_space<vmem_shared>>
        %dma_wait3A_42 = arith.constant 0 : i32
        %dma_wait3A_43 = tpu.memref_slice %arg6[%multiple_of3A, %dma_wait3A_42] : memref<10240x128xf32, #tpu.memory_space<vmem_shared>> -> memref<32x128xf32, #tpu.memory_space<vmem_shared>>
        tpu.wait_dma2 semaphore(%run_scoped3A : memref<!tpu.dma_semaphore, #tpu.memory_space<semaphore_mem>>) src(%arg11 : memref<32x128xf32, #tpu.memory_space<vmem>>) dst(%dma_wait3A_43 : memref<32x128xf32, #tpu.memory_space<vmem_shared>>)
        tpu.yield
      }) : () -> ()
      %scan3A_37 = arith.constant 0 : i32
      scf.yield %scan3A_37 : i32
    }
    %scan3A_16 = arith.constant 20 : i32
    %barrier3A = arith.constant 0 : index
    tpu.barrier barrier_id(%barrier3A)
    %scan3A_17 = arith.constant 0 : i32
    %scan3A_18 = arith.constant 0 : i32
    %scan3A_19 = arith.constant 4 : i32
    %scan3A_20 = arith.addi %scan3A_18, %scan3A_19 : i32
    %scan3A_21 = arith.constant 1 : i32
    %scan3A_22 = scf.for %scan3A_32 = %scan3A_18 to %scan3A_20 step %scan3A_21 iter_args(%scan3A_33 = %scan3A_17) -> (i32)  : i32 {
      "tpu.region"() ({
        %run_scoped3A = tpu.sem_alloc : memref<!tpu.dma_semaphore, #tpu.memory_space<semaphore_mem>>
        %dma_start3A = arith.constant 0 : i32
        %dma_start3A_42 = arith.constant 0 : i32
        %dma_start3A_43 = tpu.memref_slice %arg3[%add3A, %scan3A_32, %dma_start3A, %dma_start3A_42] : memref<32x4x20x128xi32, #tpu.memory_space<hbm>> -> memref<1x1x20x128xi32, #tpu.memory_space<hbm>>
        %dma_start3A_44 = tpu.memref_squeeze %dma_start3A_43 : memref<1x1x20x128xi32, #tpu.memory_space<hbm>> -> memref<20x128xi32, #tpu.memory_space<hbm>>
        %dma_start3A_45 = arith.constant 0 : i32
        %dma_start3A_46 = arith.constant 0 : i32
        %dma_start3A_47 = tpu.memref_slice %arg3[%add3A, %scan3A_32, %dma_start3A_45, %dma_start3A_46] : memref<32x4x20x128xi32, #tpu.memory_space<hbm>> -> memref<1x1x20x128xi32, #tpu.memory_space<hbm>>
        %dma_start3A_48 = tpu.memref_squeeze %dma_start3A_47 : memref<1x1x20x128xi32, #tpu.memory_space<hbm>> -> memref<20x128xi32, #tpu.memory_space<hbm>>
        tpu.enqueue_dma source(%dma_start3A_48 : memref<20x128xi32, #tpu.memory_space<hbm>>) target(%arg7 : memref<20x128xi32, #tpu.memory_space<vmem>>) target_semaphore(%run_scoped3A : memref<!tpu.dma_semaphore, #tpu.memory_space<semaphore_mem>>)
        %dma_wait3A = arith.constant 0 : i32
        %dma_wait3A_49 = arith.constant 0 : i32
        %dma_wait3A_50 = tpu.memref_slice %arg3[%add3A, %scan3A_32, %dma_wait3A, %dma_wait3A_49] : memref<32x4x20x128xi32, #tpu.memory_space<hbm>> -> memref<1x1x20x128xi32, #tpu.memory_space<hbm>>
        %dma_wait3A_51 = tpu.memref_squeeze %dma_wait3A_50 : memref<1x1x20x128xi32, #tpu.memory_space<hbm>> -> memref<20x128xi32, #tpu.memory_space<hbm>>
        %dma_wait3A_52 = arith.constant 0 : i32
        %dma_wait3A_53 = arith.constant 0 : i32
        %dma_wait3A_54 = tpu.memref_slice %arg3[%add3A, %scan3A_32, %dma_wait3A_52, %dma_wait3A_53] : memref<32x4x20x128xi32, #tpu.memory_space<hbm>> -> memref<1x1x20x128xi32, #tpu.memory_space<hbm>>
        %dma_wait3A_55 = tpu.memref_squeeze %dma_wait3A_54 : memref<1x1x20x128xi32, #tpu.memory_space<hbm>> -> memref<20x128xi32, #tpu.memory_space<hbm>>
        tpu.wait_dma2 semaphore(%run_scoped3A : memref<!tpu.dma_semaphore, #tpu.memory_space<semaphore_mem>>) src(%dma_wait3A_55 : memref<20x128xi32, #tpu.memory_space<hbm>>) dst(%arg7 : memref<20x128xi32, #tpu.memory_space<vmem>>)
        tpu.yield
      }) : () -> ()
      "tpu.region"() ({
        %run_scoped3A = tpu.sem_alloc : memref<!tpu.dma_semaphore, #tpu.memory_space<semaphore_mem>>
        %dma_start3A = arith.constant 0 : i32
        %dma_start3A_42 = arith.constant 0 : i32
        %dma_start3A_43 = tpu.memref_slice %arg4[%add3A, %scan3A_32, %dma_start3A, %dma_start3A_42] : memref<32x4x20x128xi32, #tpu.memory_space<hbm>> -> memref<1x1x20x128xi32, #tpu.memory_space<hbm>>
        %dma_start3A_44 = tpu.memref_squeeze %dma_start3A_43 : memref<1x1x20x128xi32, #tpu.memory_space<hbm>> -> memref<20x128xi32, #tpu.memory_space<hbm>>
        %dma_start3A_45 = arith.constant 0 : i32
        %dma_start3A_46 = arith.constant 0 : i32
        %dma_start3A_47 = tpu.memref_slice %arg4[%add3A, %scan3A_32, %dma_start3A_45, %dma_start3A_46] : memref<32x4x20x128xi32, #tpu.memory_space<hbm>> -> memref<1x1x20x128xi32, #tpu.memory_space<hbm>>
        %dma_start3A_48 = tpu.memref_squeeze %dma_start3A_47 : memref<1x1x20x128xi32, #tpu.memory_space<hbm>> -> memref<20x128xi32, #tpu.memory_space<hbm>>
        tpu.enqueue_dma source(%dma_start3A_48 : memref<20x128xi32, #tpu.memory_space<hbm>>) target(%arg8 : memref<20x128xi32, #tpu.memory_space<vmem>>) target_semaphore(%run_scoped3A : memref<!tpu.dma_semaphore, #tpu.memory_space<semaphore_mem>>)
        %dma_wait3A = arith.constant 0 : i32
        %dma_wait3A_49 = arith.constant 0 : i32
        %dma_wait3A_50 = tpu.memref_slice %arg4[%add3A, %scan3A_32, %dma_wait3A, %dma_wait3A_49] : memref<32x4x20x128xi32, #tpu.memory_space<hbm>> -> memref<1x1x20x128xi32, #tpu.memory_space<hbm>>
        %dma_wait3A_51 = tpu.memref_squeeze %dma_wait3A_50 : memref<1x1x20x128xi32, #tpu.memory_space<hbm>> -> memref<20x128xi32, #tpu.memory_space<hbm>>
        %dma_wait3A_52 = arith.constant 0 : i32
        %dma_wait3A_53 = arith.constant 0 : i32
        %dma_wait3A_54 = tpu.memref_slice %arg4[%add3A, %scan3A_32, %dma_wait3A_52, %dma_wait3A_53] : memref<32x4x20x128xi32, #tpu.memory_space<hbm>> -> memref<1x1x20x128xi32, #tpu.memory_space<hbm>>
        %dma_wait3A_55 = tpu.memref_squeeze %dma_wait3A_54 : memref<1x1x20x128xi32, #tpu.memory_space<hbm>> -> memref<20x128xi32, #tpu.memory_space<hbm>>
        tpu.wait_dma2 semaphore(%run_scoped3A : memref<!tpu.dma_semaphore, #tpu.memory_space<semaphore_mem>>) src(%dma_wait3A_55 : memref<20x128xi32, #tpu.memory_space<hbm>>) dst(%arg8 : memref<20x128xi32, #tpu.memory_space<vmem>>)
        tpu.yield
      }) : () -> ()
      %scan3A_34 = arith.constant 0 : i32
      %scan3A_35 = arith.constant 0 : i32
      %scan3A_36 = arith.constant 20 : i32
      %scan3A_37 = arith.addi %scan3A_35, %scan3A_36 : i32
      %scan3A_38 = arith.constant 1 : i32
      %scan3A_39 = scf.for %scan3A_42 = %scan3A_35 to %scan3A_37 step %scan3A_38 iter_args(%scan3A_43 = %scan3A_34) -> (i32)  : i32 {
        %dma_start3A = arith.constant 0 : i32
        %dma_start3A_44 = tpu.memref_slice %arg7[%scan3A_42, %dma_start3A] : memref<20x128xi32, #tpu.memory_space<vmem>> -> memref<1x128xi32, #tpu.memory_space<vmem>>
        %dma_start3A_45 = tpu.memref_squeeze %dma_start3A_44 : memref<1x128xi32, #tpu.memory_space<vmem>> -> memref<128xi32, #tpu.memory_space<vmem>>
        %dma_start3A_46 = arith.constant 0 : i32
        %dma_start3A_47 = arith.constant 0 : i32
        %dma_start3A_48 = tpu.memref_slice %arg2[%dma_start3A_46, %dma_start3A_47] : memref<10240x128xf32, #tpu.memory_space<hbm>> -> memref<10240x128xf32, #tpu.memory_space<hbm>>
        tpu.enqueue_indirect_dma source(%dma_start3A_48 : memref<10240x128xf32, #tpu.memory_space<hbm>>) target(%arg9 : memref<128x128xf32, #tpu.memory_space<vmem>>) offsets(%dma_start3A_45 : memref<128xi32, #tpu.memory_space<vmem>>) semaphore(%arg12 : memref<!tpu.dma_semaphore, #tpu.memory_space<semaphore_mem>>)
        %dma_wait3A = arith.constant 0 : i32
        %dma_wait3A_49 = tpu.memref_slice %arg7[%scan3A_42, %dma_wait3A] : memref<20x128xi32, #tpu.memory_space<vmem>> -> memref<1x128xi32, #tpu.memory_space<vmem>>
        %dma_wait3A_50 = tpu.memref_squeeze %dma_wait3A_49 : memref<1x128xi32, #tpu.memory_space<vmem>> -> memref<128xi32, #tpu.memory_space<vmem>>
        %dma_wait3A_51 = arith.constant 0 : i32
        %dma_wait3A_52 = arith.constant 0 : i32
        %dma_wait3A_53 = tpu.memref_slice %arg2[%dma_wait3A_51, %dma_wait3A_52] : memref<10240x128xf32, #tpu.memory_space<hbm>> -> memref<10240x128xf32, #tpu.memory_space<hbm>>
        tpu.wait_indirect_dma semaphore(%arg12 : memref<!tpu.dma_semaphore, #tpu.memory_space<semaphore_mem>>) src(%dma_wait3A_53 : memref<10240x128xf32, #tpu.memory_space<hbm>>) dst(%arg9 : memref<128x128xf32, #tpu.memory_space<vmem>>)
        "tpu.region"() ({
          %run_scoped3A = tpu.sem_alloc : memref<!tpu.dma_semaphore, #tpu.memory_space<semaphore_mem>>
          %dma_start3A_55 = arith.constant 0 : i32
          %dma_start3A_56 = tpu.memref_slice %arg8[%scan3A_42, %dma_start3A_55] : memref<20x128xi32, #tpu.memory_space<vmem>> -> memref<1x128xi32, #tpu.memory_space<vmem>>
          %dma_start3A_57 = tpu.memref_squeeze %dma_start3A_56 : memref<1x128xi32, #tpu.memory_space<vmem>> -> memref<128xi32, #tpu.memory_space<vmem>>
          %dma_start3A_58 = arith.constant 0 : i32
          %dma_start3A_59 = arith.constant 0 : i32
          %dma_start3A_60 = tpu.memref_slice %arg6[%dma_start3A_58, %dma_start3A_59] : memref<10240x128xf32, #tpu.memory_space<vmem_shared>> -> memref<10240x128xf32, #tpu.memory_space<vmem_shared>>
          tpu.enqueue_indirect_dma source(%arg9 : memref<128x128xf32, #tpu.memory_space<vmem>>) target(%dma_start3A_60 : memref<10240x128xf32, #tpu.memory_space<vmem_shared>>) offsets(%dma_start3A_57 : memref<128xi32, #tpu.memory_space<vmem>>) semaphore(%run_scoped3A : memref<!tpu.dma_semaphore, #tpu.memory_space<semaphore_mem>>) {add = true}
          %dma_wait3A_61 = arith.constant 0 : i32
          %dma_wait3A_62 = tpu.memref_slice %arg8[%scan3A_42, %dma_wait3A_61] : memref<20x128xi32, #tpu.memory_space<vmem>> -> memref<1x128xi32, #tpu.memory_space<vmem>>
          %dma_wait3A_63 = tpu.memref_squeeze %dma_wait3A_62 : memref<1x128xi32, #tpu.memory_space<vmem>> -> memref<128xi32, #tpu.memory_space<vmem>>
          %dma_wait3A_64 = arith.constant 0 : i32
          %dma_wait3A_65 = arith.constant 0 : i32
          %dma_wait3A_66 = tpu.memref_slice %arg6[%dma_wait3A_64, %dma_wait3A_65] : memref<10240x128xf32, #tpu.memory_space<vmem_shared>> -> memref<10240x128xf32, #tpu.memory_space<vmem_shared>>
          tpu.wait_indirect_dma semaphore(%run_scoped3A : memref<!tpu.dma_semaphore, #tpu.memory_space<semaphore_mem>>) src(%arg9 : memref<128x128xf32, #tpu.memory_space<vmem>>) dst(%dma_wait3A_66 : memref<10240x128xf32, #tpu.memory_space<vmem_shared>>)
          tpu.yield
        }) : () -> ()
        %scan3A_54 = arith.constant 0 : i32
        scf.yield %scan3A_54 : i32
      }
      %scan3A_40 = arith.constant 20 : i32
      %scan3A_41 = arith.constant 0 : i32
      scf.yield %scan3A_41 : i32
    }
    %scan3A_23 = arith.constant 4 : i32
    %barrier3A_24 = arith.constant 0 : index
    tpu.barrier barrier_id(%barrier3A_24)
    %scan3A_25 = arith.constant 0 : i32
    %scan3A_26 = arith.constant 0 : i32
    %scan3A_27 = arith.constant 20 : i32
    %scan3A_28 = arith.addi %scan3A_26, %scan3A_27 : i32
    %scan3A_29 = arith.constant 1 : i32
    %scan3A_30 = scf.for %scan3A_32 = %scan3A_26 to %scan3A_28 step %scan3A_29 iter_args(%scan3A_33 = %scan3A_25) -> (i32)  : i32 {
      %mul3A_34 = arith.constant 32 : i32
      %mul3A_35 = arith.muli %scan3A_32, %mul3A_34 : i32
      %add3A_36 = arith.addi %mul3A_2, %mul3A_35 : i32
      %multiple_of3A = tpu.assume_multiple %add3A_36, 32 : i32
      "tpu.region"() ({
        %run_scoped3A = tpu.sem_alloc : memref<!tpu.dma_semaphore, #tpu.memory_space<semaphore_mem>>
        %dma_start3A = arith.constant 0 : i32
        %dma_start3A_38 = tpu.memref_slice %arg6[%multiple_of3A, %dma_start3A] : memref<10240x128xf32, #tpu.memory_space<vmem_shared>> -> memref<32x128xf32, #tpu.memory_space<vmem_shared>>
        %dma_start3A_39 = arith.constant 0 : i32
        %dma_start3A_40 = tpu.memref_slice %arg6[%multiple_of3A, %dma_start3A_39] : memref<10240x128xf32, #tpu.memory_space<vmem_shared>> -> memref<32x128xf32, #tpu.memory_space<vmem_shared>>
        tpu.enqueue_dma source(%dma_start3A_40 : memref<32x128xf32, #tpu.memory_space<vmem_shared>>) target(%arg11 : memref<32x128xf32, #tpu.memory_space<vmem>>) target_semaphore(%run_scoped3A : memref<!tpu.dma_semaphore, #tpu.memory_space<semaphore_mem>>)
        %dma_wait3A = arith.constant 0 : i32
        %dma_wait3A_41 = tpu.memref_slice %arg6[%multiple_of3A, %dma_wait3A] : memref<10240x128xf32, #tpu.memory_space<vmem_shared>> -> memref<32x128xf32, #tpu.memory_space<vmem_shared>>
        %dma_wait3A_42 = arith.constant 0 : i32
        %dma_wait3A_43 = tpu.memref_slice %arg6[%multiple_of3A, %dma_wait3A_42] : memref<10240x128xf32, #tpu.memory_space<vmem_shared>> -> memref<32x128xf32, #tpu.memory_space<vmem_shared>>
        tpu.wait_dma2 semaphore(%run_scoped3A : memref<!tpu.dma_semaphore, #tpu.memory_space<semaphore_mem>>) src(%dma_wait3A_43 : memref<32x128xf32, #tpu.memory_space<vmem_shared>>) dst(%arg11 : memref<32x128xf32, #tpu.memory_space<vmem>>)
        tpu.yield
      }) : () -> ()
      "tpu.region"() ({
        %run_scoped3A = tpu.sem_alloc : memref<!tpu.dma_semaphore, #tpu.memory_space<semaphore_mem>>
        %dma_start3A = arith.constant 0 : i32
        %dma_start3A_38 = tpu.memref_slice %arg5[%arg0, %multiple_of3A, %dma_start3A] : memref<2x10240x128xf32, #tpu.memory_space<hbm>> -> memref<1x32x128xf32, #tpu.memory_space<hbm>>
        %dma_start3A_39 = tpu.memref_squeeze %dma_start3A_38 : memref<1x32x128xf32, #tpu.memory_space<hbm>> -> memref<32x128xf32, #tpu.memory_space<hbm>>
        %dma_start3A_40 = arith.constant 0 : i32
        %dma_start3A_41 = tpu.memref_slice %arg5[%arg0, %multiple_of3A, %dma_start3A_40] : memref<2x10240x128xf32, #tpu.memory_space<hbm>> -> memref<1x32x128xf32, #tpu.memory_space<hbm>>
        %dma_start3A_42 = tpu.memref_squeeze %dma_start3A_41 : memref<1x32x128xf32, #tpu.memory_space<hbm>> -> memref<32x128xf32, #tpu.memory_space<hbm>>
        tpu.enqueue_dma source(%arg11 : memref<32x128xf32, #tpu.memory_space<vmem>>) target(%dma_start3A_42 : memref<32x128xf32, #tpu.memory_space<hbm>>) target_semaphore(%run_scoped3A : memref<!tpu.dma_semaphore, #tpu.memory_space<semaphore_mem>>)
        %dma_wait3A = arith.constant 0 : i32
        %dma_wait3A_43 = tpu.memref_slice %arg5[%arg0, %multiple_of3A, %dma_wait3A] : memref<2x10240x128xf32, #tpu.memory_space<hbm>> -> memref<1x32x128xf32, #tpu.memory_space<hbm>>
        %dma_wait3A_44 = tpu.memref_squeeze %dma_wait3A_43 : memref<1x32x128xf32, #tpu.memory_space<hbm>> -> memref<32x128xf32, #tpu.memory_space<hbm>>
        %dma_wait3A_45 = arith.constant 0 : i32
        %dma_wait3A_46 = tpu.memref_slice %arg5[%arg0, %multiple_of3A, %dma_wait3A_45] : memref<2x10240x128xf32, #tpu.memory_space<hbm>> -> memref<1x32x128xf32, #tpu.memory_space<hbm>>
        %dma_wait3A_47 = tpu.memref_squeeze %dma_wait3A_46 : memref<1x32x128xf32, #tpu.memory_space<hbm>> -> memref<32x128xf32, #tpu.memory_space<hbm>>
        tpu.wait_dma2 semaphore(%run_scoped3A : memref<!tpu.dma_semaphore, #tpu.memory_space<semaphore_mem>>) src(%arg11 : memref<32x128xf32, #tpu.memory_space<vmem>>) dst(%dma_wait3A_47 : memref<32x128xf32, #tpu.memory_space<hbm>>)
        tpu.yield
      }) : () -> ()
      %scan3A_37 = arith.constant 0 : i32
      scf.yield %scan3A_37 : i32
    }
    %scan3A_31 = arith.constant 20 : i32
    return
  }
}

#map = affine_map<(d0, d1) -> (0, 0, 0, 0)>
#map1 = affine_map<(d0, d1) -> (0, 0, 0)>
module attributes {stable_mosaic.version = 14 : i64} {
  func.func @histogram(%arg0: i32, %arg1: i32, %arg2: memref<32x4x20x128xi32, #tpu.memory_space<hbm>>, %arg3: memref<2x10240x128xf32, #tpu.memory_space<hbm>>, %arg4: memref<10240x128xf32, #tpu.memory_space<vmem_shared>>, %arg5: memref<20x128xi32, #tpu.memory_space<vmem>>, %arg6: memref<128x128xf32, #tpu.memory_space<vmem>>, %arg7: memref<32x128xf32, #tpu.memory_space<vmem>>, %arg8: memref<!tpu.dma_semaphore, #tpu.memory_space<semaphore_mem>>) attributes {dimension_semantics = [#tpu.dimension_semantics<core_parallel>, #tpu.dimension_semantics<subcore_parallel>], iteration_bounds = array<i64: 2, 16>, scalar_prefetch = 0 : i64, scratch_operands = 5 : i64, tpu.core_type = #tpu.core_type<sc_vector_subcore>, window_params = [{transform_indices = #map}, {transform_indices = #map1}]} {
    %mul3A = arith.constant 2 : i32
    %mul3A_0 = arith.muli %arg1, %mul3A : i32
    %add3A = arith.addi %mul3A_0, %arg0 : i32
    %mul3A_1 = arith.constant 640 : i32
    %mul3A_2 = arith.muli %arg1, %mul3A_1 : i32
    %broadcast_in_dim3A = arith.constant 1.000000e+00 : f32
    %broadcast_in_dim3A_3 = vector.broadcast %broadcast_in_dim3A : f32 to vector<16xf32>
    %scan3A = arith.constant 0 : i32
    %scan3A_4 = arith.constant 0 : i32
    %scan3A_5 = arith.constant 128 : i32
    %scan3A_6 = arith.addi %scan3A_4, %scan3A_5 : i32
    %scan3A_7 = arith.constant 1 : i32
    %scan3A_8 = scf.for %scan3A_41 = %scan3A_4 to %scan3A_6 step %scan3A_7 iter_args(%scan3A_42 = %scan3A) -> (i32)  : i32 {
      %swap3A = arith.index_cast %scan3A_41 : i32 to index
      %swap3A_43 = arith.constant 0 : index
      %swap3A_44 = tpu.vector_load %arg6[%swap3A, %swap3A_43] {strides = array<i32>} : memref<128x128xf32, #tpu.memory_space<vmem>>, vector<1x16xf32>,
      %swap3A_45 = vector.shape_cast %swap3A_44 : vector<1x16xf32> to vector<16xf32>
      %swap3A_46 = vector.shape_cast %broadcast_in_dim3A_3 : vector<16xf32> to vector<1x16xf32>
      tpu.vector_store %arg6[%swap3A, %swap3A_43], %swap3A_46 {strides = array<i32>} : memref<128x128xf32, #tpu.memory_space<vmem>>, vector<1x16xf32>,
      %swap3A_47 = arith.index_cast %scan3A_41 : i32 to index
      %swap3A_48 = arith.constant 16 : index
      %swap3A_49 = tpu.vector_load %arg6[%swap3A_47, %swap3A_48] {strides = array<i32>} : memref<128x128xf32, #tpu.memory_space<vmem>>, vector<1x16xf32>,
      %swap3A_50 = vector.shape_cast %swap3A_49 : vector<1x16xf32> to vector<16xf32>
      %swap3A_51 = vector.shape_cast %broadcast_in_dim3A_3 : vector<16xf32> to vector<1x16xf32>
      tpu.vector_store %arg6[%swap3A_47, %swap3A_48], %swap3A_51 {strides = array<i32>} : memref<128x128xf32, #tpu.memory_space<vmem>>, vector<1x16xf32>,
      %swap3A_52 = arith.index_cast %scan3A_41 : i32 to index
      %swap3A_53 = arith.constant 32 : index
      %swap3A_54 = tpu.vector_load %arg6[%swap3A_52, %swap3A_53] {strides = array<i32>} : memref<128x128xf32, #tpu.memory_space<vmem>>, vector<1x16xf32>,
      %swap3A_55 = vector.shape_cast %swap3A_54 : vector<1x16xf32> to vector<16xf32>
      %swap3A_56 = vector.shape_cast %broadcast_in_dim3A_3 : vector<16xf32> to vector<1x16xf32>
      tpu.vector_store %arg6[%swap3A_52, %swap3A_53], %swap3A_56 {strides = array<i32>} : memref<128x128xf32, #tpu.memory_space<vmem>>, vector<1x16xf32>,
      %swap3A_57 = arith.index_cast %scan3A_41 : i32 to index
      %swap3A_58 = arith.constant 48 : index
      %swap3A_59 = tpu.vector_load %arg6[%swap3A_57, %swap3A_58] {strides = array<i32>} : memref<128x128xf32, #tpu.memory_space<vmem>>, vector<1x16xf32>,
      %swap3A_60 = vector.shape_cast %swap3A_59 : vector<1x16xf32> to vector<16xf32>
      %swap3A_61 = vector.shape_cast %broadcast_in_dim3A_3 : vector<16xf32> to vector<1x16xf32>
      tpu.vector_store %arg6[%swap3A_57, %swap3A_58], %swap3A_61 {strides = array<i32>} : memref<128x128xf32, #tpu.memory_space<vmem>>, vector<1x16xf32>,
      %swap3A_62 = arith.index_cast %scan3A_41 : i32 to index
      %swap3A_63 = arith.constant 64 : index
      %swap3A_64 = tpu.vector_load %arg6[%swap3A_62, %swap3A_63] {strides = array<i32>} : memref<128x128xf32, #tpu.memory_space<vmem>>, vector<1x16xf32>,
      %swap3A_65 = vector.shape_cast %swap3A_64 : vector<1x16xf32> to vector<16xf32>
      %swap3A_66 = vector.shape_cast %broadcast_in_dim3A_3 : vector<16xf32> to vector<1x16xf32>
      tpu.vector_store %arg6[%swap3A_62, %swap3A_63], %swap3A_66 {strides = array<i32>} : memref<128x128xf32, #tpu.memory_space<vmem>>, vector<1x16xf32>,
      %swap3A_67 = arith.index_cast %scan3A_41 : i32 to index
      %swap3A_68 = arith.constant 80 : index
      %swap3A_69 = tpu.vector_load %arg6[%swap3A_67, %swap3A_68] {strides = array<i32>} : memref<128x128xf32, #tpu.memory_space<vmem>>, vector<1x16xf32>,
      %swap3A_70 = vector.shape_cast %swap3A_69 : vector<1x16xf32> to vector<16xf32>
      %swap3A_71 = vector.shape_cast %broadcast_in_dim3A_3 : vector<16xf32> to vector<1x16xf32>
      tpu.vector_store %arg6[%swap3A_67, %swap3A_68], %swap3A_71 {strides = array<i32>} : memref<128x128xf32, #tpu.memory_space<vmem>>, vector<1x16xf32>,
      %swap3A_72 = arith.index_cast %scan3A_41 : i32 to index
      %swap3A_73 = arith.constant 96 : index
      %swap3A_74 = tpu.vector_load %arg6[%swap3A_72, %swap3A_73] {strides = array<i32>} : memref<128x128xf32, #tpu.memory_space<vmem>>, vector<1x16xf32>,
      %swap3A_75 = vector.shape_cast %swap3A_74 : vector<1x16xf32> to vector<16xf32>
      %swap3A_76 = vector.shape_cast %broadcast_in_dim3A_3 : vector<16xf32> to vector<1x16xf32>
      tpu.vector_store %arg6[%swap3A_72, %swap3A_73], %swap3A_76 {strides = array<i32>} : memref<128x128xf32, #tpu.memory_space<vmem>>, vector<1x16xf32>,
      %swap3A_77 = arith.index_cast %scan3A_41 : i32 to index
      %swap3A_78 = arith.constant 112 : index
      %swap3A_79 = tpu.vector_load %arg6[%swap3A_77, %swap3A_78] {strides = array<i32>} : memref<128x128xf32, #tpu.memory_space<vmem>>, vector<1x16xf32>,
      %swap3A_80 = vector.shape_cast %swap3A_79 : vector<1x16xf32> to vector<16xf32>
      %swap3A_81 = vector.shape_cast %broadcast_in_dim3A_3 : vector<16xf32> to vector<1x16xf32>
      tpu.vector_store %arg6[%swap3A_77, %swap3A_78], %swap3A_81 {strides = array<i32>} : memref<128x128xf32, #tpu.memory_space<vmem>>, vector<1x16xf32>,
      %scan3A_82 = arith.constant 0 : i32
      scf.yield %scan3A_82 : i32
    }
    %scan3A_9 = arith.constant 128 : i32
    %broadcast_in_dim3A_10 = arith.constant 0.000000e+00 : f32
    %broadcast_in_dim3A_11 = vector.broadcast %broadcast_in_dim3A_10 : f32 to vector<16xf32>
    %scan3A_12 = arith.constant 0 : i32
    %scan3A_13 = arith.constant 0 : i32
    %scan3A_14 = arith.constant 32 : i32
    %scan3A_15 = arith.addi %scan3A_13, %scan3A_14 : i32
    %scan3A_16 = arith.constant 1 : i32
    %scan3A_17 = scf.for %scan3A_41 = %scan3A_13 to %scan3A_15 step %scan3A_16 iter_args(%scan3A_42 = %scan3A_12) -> (i32)  : i32 {
      %swap3A = arith.index_cast %scan3A_41 : i32 to index
      %swap3A_43 = arith.constant 0 : index
      %swap3A_44 = tpu.vector_load %arg7[%swap3A, %swap3A_43] {strides = array<i32>} : memref<32x128xf32, #tpu.memory_space<vmem>>, vector<1x16xf32>,
      %swap3A_45 = vector.shape_cast %swap3A_44 : vector<1x16xf32> to vector<16xf32>
      %swap3A_46 = vector.shape_cast %broadcast_in_dim3A_11 : vector<16xf32> to vector<1x16xf32>
      tpu.vector_store %arg7[%swap3A, %swap3A_43], %swap3A_46 {strides = array<i32>} : memref<32x128xf32, #tpu.memory_space<vmem>>, vector<1x16xf32>,
      %swap3A_47 = arith.index_cast %scan3A_41 : i32 to index
      %swap3A_48 = arith.constant 16 : index
      %swap3A_49 = tpu.vector_load %arg7[%swap3A_47, %swap3A_48] {strides = array<i32>} : memref<32x128xf32, #tpu.memory_space<vmem>>, vector<1x16xf32>,
      %swap3A_50 = vector.shape_cast %swap3A_49 : vector<1x16xf32> to vector<16xf32>
      %swap3A_51 = vector.shape_cast %broadcast_in_dim3A_11 : vector<16xf32> to vector<1x16xf32>
      tpu.vector_store %arg7[%swap3A_47, %swap3A_48], %swap3A_51 {strides = array<i32>} : memref<32x128xf32, #tpu.memory_space<vmem>>, vector<1x16xf32>,
      %swap3A_52 = arith.index_cast %scan3A_41 : i32 to index
      %swap3A_53 = arith.constant 32 : index
      %swap3A_54 = tpu.vector_load %arg7[%swap3A_52, %swap3A_53] {strides = array<i32>} : memref<32x128xf32, #tpu.memory_space<vmem>>, vector<1x16xf32>,
      %swap3A_55 = vector.shape_cast %swap3A_54 : vector<1x16xf32> to vector<16xf32>
      %swap3A_56 = vector.shape_cast %broadcast_in_dim3A_11 : vector<16xf32> to vector<1x16xf32>
      tpu.vector_store %arg7[%swap3A_52, %swap3A_53], %swap3A_56 {strides = array<i32>} : memref<32x128xf32, #tpu.memory_space<vmem>>, vector<1x16xf32>,
      %swap3A_57 = arith.index_cast %scan3A_41 : i32 to index
      %swap3A_58 = arith.constant 48 : index
      %swap3A_59 = tpu.vector_load %arg7[%swap3A_57, %swap3A_58] {strides = array<i32>} : memref<32x128xf32, #tpu.memory_space<vmem>>, vector<1x16xf32>,
      %swap3A_60 = vector.shape_cast %swap3A_59 : vector<1x16xf32> to vector<16xf32>
      %swap3A_61 = vector.shape_cast %broadcast_in_dim3A_11 : vector<16xf32> to vector<1x16xf32>
      tpu.vector_store %arg7[%swap3A_57, %swap3A_58], %swap3A_61 {strides = array<i32>} : memref<32x128xf32, #tpu.memory_space<vmem>>, vector<1x16xf32>,
      %swap3A_62 = arith.index_cast %scan3A_41 : i32 to index
      %swap3A_63 = arith.constant 64 : index
      %swap3A_64 = tpu.vector_load %arg7[%swap3A_62, %swap3A_63] {strides = array<i32>} : memref<32x128xf32, #tpu.memory_space<vmem>>, vector<1x16xf32>,
      %swap3A_65 = vector.shape_cast %swap3A_64 : vector<1x16xf32> to vector<16xf32>
      %swap3A_66 = vector.shape_cast %broadcast_in_dim3A_11 : vector<16xf32> to vector<1x16xf32>
      tpu.vector_store %arg7[%swap3A_62, %swap3A_63], %swap3A_66 {strides = array<i32>} : memref<32x128xf32, #tpu.memory_space<vmem>>, vector<1x16xf32>,
      %swap3A_67 = arith.index_cast %scan3A_41 : i32 to index
      %swap3A_68 = arith.constant 80 : index
      %swap3A_69 = tpu.vector_load %arg7[%swap3A_67, %swap3A_68] {strides = array<i32>} : memref<32x128xf32, #tpu.memory_space<vmem>>, vector<1x16xf32>,
      %swap3A_70 = vector.shape_cast %swap3A_69 : vector<1x16xf32> to vector<16xf32>
      %swap3A_71 = vector.shape_cast %broadcast_in_dim3A_11 : vector<16xf32> to vector<1x16xf32>
      tpu.vector_store %arg7[%swap3A_67, %swap3A_68], %swap3A_71 {strides = array<i32>} : memref<32x128xf32, #tpu.memory_space<vmem>>, vector<1x16xf32>,
      %swap3A_72 = arith.index_cast %scan3A_41 : i32 to index
      %swap3A_73 = arith.constant 96 : index
      %swap3A_74 = tpu.vector_load %arg7[%swap3A_72, %swap3A_73] {strides = array<i32>} : memref<32x128xf32, #tpu.memory_space<vmem>>, vector<1x16xf32>,
      %swap3A_75 = vector.shape_cast %swap3A_74 : vector<1x16xf32> to vector<16xf32>
      %swap3A_76 = vector.shape_cast %broadcast_in_dim3A_11 : vector<16xf32> to vector<1x16xf32>
      tpu.vector_store %arg7[%swap3A_72, %swap3A_73], %swap3A_76 {strides = array<i32>} : memref<32x128xf32, #tpu.memory_space<vmem>>, vector<1x16xf32>,
      %swap3A_77 = arith.index_cast %scan3A_41 : i32 to index
      %swap3A_78 = arith.constant 112 : index
      %swap3A_79 = tpu.vector_load %arg7[%swap3A_77, %swap3A_78] {strides = array<i32>} : memref<32x128xf32, #tpu.memory_space<vmem>>, vector<1x16xf32>,
      %swap3A_80 = vector.shape_cast %swap3A_79 : vector<1x16xf32> to vector<16xf32>
      %swap3A_81 = vector.shape_cast %broadcast_in_dim3A_11 : vector<16xf32> to vector<1x16xf32>
      tpu.vector_store %arg7[%swap3A_77, %swap3A_78], %swap3A_81 {strides = array<i32>} : memref<32x128xf32, #tpu.memory_space<vmem>>, vector<1x16xf32>,
      %scan3A_82 = arith.constant 0 : i32
      scf.yield %scan3A_82 : i32
    }
    %scan3A_18 = arith.constant 32 : i32
    %scan3A_19 = arith.constant 0 : i32
    %scan3A_20 = arith.constant 0 : i32
    %scan3A_21 = arith.constant 20 : i32
    %scan3A_22 = arith.addi %scan3A_20, %scan3A_21 : i32
    %scan3A_23 = arith.constant 1 : i32
    %scan3A_24 = scf.for %scan3A_41 = %scan3A_20 to %scan3A_22 step %scan3A_23 iter_args(%scan3A_42 = %scan3A_19) -> (i32)  : i32 {
      %mul3A_43 = arith.constant 32 : i32
      %mul3A_44 = arith.muli %scan3A_41, %mul3A_43 : i32
      %add3A_45 = arith.addi %mul3A_2, %mul3A_44 : i32
      %multiple_of3A = tpu.assume_multiple %add3A_45, 32 : i32
      "tpu.region"() ({
        %run_scoped3A = tpu.sem_alloc : memref<!tpu.dma_semaphore, #tpu.memory_space<semaphore_mem>>
        %dma_start3A = arith.constant 0 : i32
        %dma_start3A_47 = tpu.memref_slice %arg4[%multiple_of3A, %dma_start3A] : memref<10240x128xf32, #tpu.memory_space<vmem_shared>> -> memref<32x128xf32, #tpu.memory_space<vmem_shared>>
        %dma_start3A_48 = arith.constant 0 : i32
        %dma_start3A_49 = tpu.memref_slice %arg4[%multiple_of3A, %dma_start3A_48] : memref<10240x128xf32, #tpu.memory_space<vmem_shared>> -> memref<32x128xf32, #tpu.memory_space<vmem_shared>>
        tpu.enqueue_dma source(%arg7 : memref<32x128xf32, #tpu.memory_space<vmem>>) target(%dma_start3A_49 : memref<32x128xf32, #tpu.memory_space<vmem_shared>>) target_semaphore(%run_scoped3A : memref<!tpu.dma_semaphore, #tpu.memory_space<semaphore_mem>>)
        %dma_wait3A = arith.constant 0 : i32
        %dma_wait3A_50 = tpu.memref_slice %arg4[%multiple_of3A, %dma_wait3A] : memref<10240x128xf32, #tpu.memory_space<vmem_shared>> -> memref<32x128xf32, #tpu.memory_space<vmem_shared>>
        %dma_wait3A_51 = arith.constant 0 : i32
        %dma_wait3A_52 = tpu.memref_slice %arg4[%multiple_of3A, %dma_wait3A_51] : memref<10240x128xf32, #tpu.memory_space<vmem_shared>> -> memref<32x128xf32, #tpu.memory_space<vmem_shared>>
        tpu.wait_dma2 semaphore(%run_scoped3A : memref<!tpu.dma_semaphore, #tpu.memory_space<semaphore_mem>>) src(%arg7 : memref<32x128xf32, #tpu.memory_space<vmem>>) dst(%dma_wait3A_52 : memref<32x128xf32, #tpu.memory_space<vmem_shared>>)
        tpu.yield
      }) : () -> ()
      %scan3A_46 = arith.constant 0 : i32
      scf.yield %scan3A_46 : i32
    }
    %scan3A_25 = arith.constant 20 : i32
    %barrier3A = arith.constant 0 : index
    tpu.barrier barrier_id(%barrier3A)
    %scan3A_26 = arith.constant 0 : i32
    %scan3A_27 = arith.constant 0 : i32
    %scan3A_28 = arith.constant 4 : i32
    %scan3A_29 = arith.addi %scan3A_27, %scan3A_28 : i32
    %scan3A_30 = arith.constant 1 : i32
    %scan3A_31 = scf.for %scan3A_41 = %scan3A_27 to %scan3A_29 step %scan3A_30 iter_args(%scan3A_42 = %scan3A_26) -> (i32)  : i32 {
      "tpu.region"() ({
        %run_scoped3A = tpu.sem_alloc : memref<!tpu.dma_semaphore, #tpu.memory_space<semaphore_mem>>
        %dma_start3A_322 = arith.constant 0 : i32
        %dma_start3A_323 = arith.constant 0 : i32
        %dma_start3A_324 = tpu.memref_slice %arg2[%add3A, %scan3A_41, %dma_start3A_322, %dma_start3A_323] : memref<32x4x20x128xi32, #tpu.memory_space<hbm>> -> memref<1x1x20x128xi32, #tpu.memory_space<hbm>>
        %dma_start3A_325 = tpu.memref_squeeze %dma_start3A_324 : memref<1x1x20x128xi32, #tpu.memory_space<hbm>> -> memref<20x128xi32, #tpu.memory_space<hbm>>
        %dma_start3A_326 = arith.constant 0 : i32
        %dma_start3A_327 = arith.constant 0 : i32
        %dma_start3A_328 = tpu.memref_slice %arg2[%add3A, %scan3A_41, %dma_start3A_326, %dma_start3A_327] : memref<32x4x20x128xi32, #tpu.memory_space<hbm>> -> memref<1x1x20x128xi32, #tpu.memory_space<hbm>>
        %dma_start3A_329 = tpu.memref_squeeze %dma_start3A_328 : memref<1x1x20x128xi32, #tpu.memory_space<hbm>> -> memref<20x128xi32, #tpu.memory_space<hbm>>
        tpu.enqueue_dma source(%dma_start3A_329 : memref<20x128xi32, #tpu.memory_space<hbm>>) target(%arg5 : memref<20x128xi32, #tpu.memory_space<vmem>>) target_semaphore(%run_scoped3A : memref<!tpu.dma_semaphore, #tpu.memory_space<semaphore_mem>>)
        %dma_wait3A_330 = arith.constant 0 : i32
        %dma_wait3A_331 = arith.constant 0 : i32
        %dma_wait3A_332 = tpu.memref_slice %arg2[%add3A, %scan3A_41, %dma_wait3A_330, %dma_wait3A_331] : memref<32x4x20x128xi32, #tpu.memory_space<hbm>> -> memref<1x1x20x128xi32, #tpu.memory_space<hbm>>
        %dma_wait3A_333 = tpu.memref_squeeze %dma_wait3A_332 : memref<1x1x20x128xi32, #tpu.memory_space<hbm>> -> memref<20x128xi32, #tpu.memory_space<hbm>>
        %dma_wait3A_334 = arith.constant 0 : i32
        %dma_wait3A_335 = arith.constant 0 : i32
        %dma_wait3A_336 = tpu.memref_slice %arg2[%add3A, %scan3A_41, %dma_wait3A_334, %dma_wait3A_335] : memref<32x4x20x128xi32, #tpu.memory_space<hbm>> -> memref<1x1x20x128xi32, #tpu.memory_space<hbm>>
        %dma_wait3A_337 = tpu.memref_squeeze %dma_wait3A_336 : memref<1x1x20x128xi32, #tpu.memory_space<hbm>> -> memref<20x128xi32, #tpu.memory_space<hbm>>
        tpu.wait_dma2 semaphore(%run_scoped3A : memref<!tpu.dma_semaphore, #tpu.memory_space<semaphore_mem>>) src(%dma_wait3A_337 : memref<20x128xi32, #tpu.memory_space<hbm>>) dst(%arg5 : memref<20x128xi32, #tpu.memory_space<vmem>>)
        tpu.yield
      }) : () -> ()
      %dma_start3A = arith.constant 0 : i32
      %dma_start3A_43 = arith.constant 0 : i32
      %dma_start3A_44 = tpu.memref_slice %arg5[%dma_start3A, %dma_start3A_43] : memref<20x128xi32, #tpu.memory_space<vmem>> -> memref<1x128xi32, #tpu.memory_space<vmem>>
      %dma_start3A_45 = tpu.memref_squeeze %dma_start3A_44 : memref<1x128xi32, #tpu.memory_space<vmem>> -> memref<128xi32, #tpu.memory_space<vmem>>
      %dma_start3A_46 = arith.constant 0 : i32
      %dma_start3A_47 = arith.constant 0 : i32
      %dma_start3A_48 = tpu.memref_slice %arg4[%dma_start3A_46, %dma_start3A_47] : memref<10240x128xf32, #tpu.memory_space<vmem_shared>> -> memref<10240x128xf32, #tpu.memory_space<vmem_shared>>
      tpu.enqueue_indirect_dma source(%arg6 : memref<128x128xf32, #tpu.memory_space<vmem>>) target(%dma_start3A_48 : memref<10240x128xf32, #tpu.memory_space<vmem_shared>>) offsets(%dma_start3A_45 : memref<128xi32, #tpu.memory_space<vmem>>) semaphore(%arg8 : memref<!tpu.dma_semaphore, #tpu.memory_space<semaphore_mem>>) {add = true}
      %dma_start3A_49 = arith.constant 1 : i32
      %dma_start3A_50 = arith.constant 0 : i32
      %dma_start3A_51 = tpu.memref_slice %arg5[%dma_start3A_49, %dma_start3A_50] : memref<20x128xi32, #tpu.memory_space<vmem>> -> memref<1x128xi32, #tpu.memory_space<vmem>>
      %dma_start3A_52 = tpu.memref_squeeze %dma_start3A_51 : memref<1x128xi32, #tpu.memory_space<vmem>> -> memref<128xi32, #tpu.memory_space<vmem>>
      %dma_start3A_53 = arith.constant 0 : i32
      %dma_start3A_54 = arith.constant 0 : i32
      %dma_start3A_55 = tpu.memref_slice %arg4[%dma_start3A_53, %dma_start3A_54] : memref<10240x128xf32, #tpu.memory_space<vmem_shared>> -> memref<10240x128xf32, #tpu.memory_space<vmem_shared>>
      tpu.enqueue_indirect_dma source(%arg6 : memref<128x128xf32, #tpu.memory_space<vmem>>) target(%dma_start3A_55 : memref<10240x128xf32, #tpu.memory_space<vmem_shared>>) offsets(%dma_start3A_52 : memref<128xi32, #tpu.memory_space<vmem>>) semaphore(%arg8 : memref<!tpu.dma_semaphore, #tpu.memory_space<semaphore_mem>>) {add = true}
      %dma_start3A_56 = arith.constant 2 : i32
      %dma_start3A_57 = arith.constant 0 : i32
      %dma_start3A_58 = tpu.memref_slice %arg5[%dma_start3A_56, %dma_start3A_57] : memref<20x128xi32, #tpu.memory_space<vmem>> -> memref<1x128xi32, #tpu.memory_space<vmem>>
      %dma_start3A_59 = tpu.memref_squeeze %dma_start3A_58 : memref<1x128xi32, #tpu.memory_space<vmem>> -> memref<128xi32, #tpu.memory_space<vmem>>
      %dma_start3A_60 = arith.constant 0 : i32
      %dma_start3A_61 = arith.constant 0 : i32
      %dma_start3A_62 = tpu.memref_slice %arg4[%dma_start3A_60, %dma_start3A_61] : memref<10240x128xf32, #tpu.memory_space<vmem_shared>> -> memref<10240x128xf32, #tpu.memory_space<vmem_shared>>
      tpu.enqueue_indirect_dma source(%arg6 : memref<128x128xf32, #tpu.memory_space<vmem>>) target(%dma_start3A_62 : memref<10240x128xf32, #tpu.memory_space<vmem_shared>>) offsets(%dma_start3A_59 : memref<128xi32, #tpu.memory_space<vmem>>) semaphore(%arg8 : memref<!tpu.dma_semaphore, #tpu.memory_space<semaphore_mem>>) {add = true}
      %dma_start3A_63 = arith.constant 3 : i32
      %dma_start3A_64 = arith.constant 0 : i32
      %dma_start3A_65 = tpu.memref_slice %arg5[%dma_start3A_63, %dma_start3A_64] : memref<20x128xi32, #tpu.memory_space<vmem>> -> memref<1x128xi32, #tpu.memory_space<vmem>>
      %dma_start3A_66 = tpu.memref_squeeze %dma_start3A_65 : memref<1x128xi32, #tpu.memory_space<vmem>> -> memref<128xi32, #tpu.memory_space<vmem>>
      %dma_start3A_67 = arith.constant 0 : i32
      %dma_start3A_68 = arith.constant 0 : i32
      %dma_start3A_69 = tpu.memref_slice %arg4[%dma_start3A_67, %dma_start3A_68] : memref<10240x128xf32, #tpu.memory_space<vmem_shared>> -> memref<10240x128xf32, #tpu.memory_space<vmem_shared>>
      tpu.enqueue_indirect_dma source(%arg6 : memref<128x128xf32, #tpu.memory_space<vmem>>) target(%dma_start3A_69 : memref<10240x128xf32, #tpu.memory_space<vmem_shared>>) offsets(%dma_start3A_66 : memref<128xi32, #tpu.memory_space<vmem>>) semaphore(%arg8 : memref<!tpu.dma_semaphore, #tpu.memory_space<semaphore_mem>>) {add = true}
      %dma_start3A_70 = arith.constant 4 : i32
      %dma_start3A_71 = arith.constant 0 : i32
      %dma_start3A_72 = tpu.memref_slice %arg5[%dma_start3A_70, %dma_start3A_71] : memref<20x128xi32, #tpu.memory_space<vmem>> -> memref<1x128xi32, #tpu.memory_space<vmem>>
      %dma_start3A_73 = tpu.memref_squeeze %dma_start3A_72 : memref<1x128xi32, #tpu.memory_space<vmem>> -> memref<128xi32, #tpu.memory_space<vmem>>
      %dma_start3A_74 = arith.constant 0 : i32
      %dma_start3A_75 = arith.constant 0 : i32
      %dma_start3A_76 = tpu.memref_slice %arg4[%dma_start3A_74, %dma_start3A_75] : memref<10240x128xf32, #tpu.memory_space<vmem_shared>> -> memref<10240x128xf32, #tpu.memory_space<vmem_shared>>
      tpu.enqueue_indirect_dma source(%arg6 : memref<128x128xf32, #tpu.memory_space<vmem>>) target(%dma_start3A_76 : memref<10240x128xf32, #tpu.memory_space<vmem_shared>>) offsets(%dma_start3A_73 : memref<128xi32, #tpu.memory_space<vmem>>) semaphore(%arg8 : memref<!tpu.dma_semaphore, #tpu.memory_space<semaphore_mem>>) {add = true}
      %dma_start3A_77 = arith.constant 5 : i32
      %dma_start3A_78 = arith.constant 0 : i32
      %dma_start3A_79 = tpu.memref_slice %arg5[%dma_start3A_77, %dma_start3A_78] : memref<20x128xi32, #tpu.memory_space<vmem>> -> memref<1x128xi32, #tpu.memory_space<vmem>>
      %dma_start3A_80 = tpu.memref_squeeze %dma_start3A_79 : memref<1x128xi32, #tpu.memory_space<vmem>> -> memref<128xi32, #tpu.memory_space<vmem>>
      %dma_start3A_81 = arith.constant 0 : i32
      %dma_start3A_82 = arith.constant 0 : i32
      %dma_start3A_83 = tpu.memref_slice %arg4[%dma_start3A_81, %dma_start3A_82] : memref<10240x128xf32, #tpu.memory_space<vmem_shared>> -> memref<10240x128xf32, #tpu.memory_space<vmem_shared>>
      tpu.enqueue_indirect_dma source(%arg6 : memref<128x128xf32, #tpu.memory_space<vmem>>) target(%dma_start3A_83 : memref<10240x128xf32, #tpu.memory_space<vmem_shared>>) offsets(%dma_start3A_80 : memref<128xi32, #tpu.memory_space<vmem>>) semaphore(%arg8 : memref<!tpu.dma_semaphore, #tpu.memory_space<semaphore_mem>>) {add = true}
      %dma_start3A_84 = arith.constant 6 : i32
      %dma_start3A_85 = arith.constant 0 : i32
      %dma_start3A_86 = tpu.memref_slice %arg5[%dma_start3A_84, %dma_start3A_85] : memref<20x128xi32, #tpu.memory_space<vmem>> -> memref<1x128xi32, #tpu.memory_space<vmem>>
      %dma_start3A_87 = tpu.memref_squeeze %dma_start3A_86 : memref<1x128xi32, #tpu.memory_space<vmem>> -> memref<128xi32, #tpu.memory_space<vmem>>
      %dma_start3A_88 = arith.constant 0 : i32
      %dma_start3A_89 = arith.constant 0 : i32
      %dma_start3A_90 = tpu.memref_slice %arg4[%dma_start3A_88, %dma_start3A_89] : memref<10240x128xf32, #tpu.memory_space<vmem_shared>> -> memref<10240x128xf32, #tpu.memory_space<vmem_shared>>
      tpu.enqueue_indirect_dma source(%arg6 : memref<128x128xf32, #tpu.memory_space<vmem>>) target(%dma_start3A_90 : memref<10240x128xf32, #tpu.memory_space<vmem_shared>>) offsets(%dma_start3A_87 : memref<128xi32, #tpu.memory_space<vmem>>) semaphore(%arg8 : memref<!tpu.dma_semaphore, #tpu.memory_space<semaphore_mem>>) {add = true}
      %dma_start3A_91 = arith.constant 7 : i32
      %dma_start3A_92 = arith.constant 0 : i32
      %dma_start3A_93 = tpu.memref_slice %arg5[%dma_start3A_91, %dma_start3A_92] : memref<20x128xi32, #tpu.memory_space<vmem>> -> memref<1x128xi32, #tpu.memory_space<vmem>>
      %dma_start3A_94 = tpu.memref_squeeze %dma_start3A_93 : memref<1x128xi32, #tpu.memory_space<vmem>> -> memref<128xi32, #tpu.memory_space<vmem>>
      %dma_start3A_95 = arith.constant 0 : i32
      %dma_start3A_96 = arith.constant 0 : i32
      %dma_start3A_97 = tpu.memref_slice %arg4[%dma_start3A_95, %dma_start3A_96] : memref<10240x128xf32, #tpu.memory_space<vmem_shared>> -> memref<10240x128xf32, #tpu.memory_space<vmem_shared>>
      tpu.enqueue_indirect_dma source(%arg6 : memref<128x128xf32, #tpu.memory_space<vmem>>) target(%dma_start3A_97 : memref<10240x128xf32, #tpu.memory_space<vmem_shared>>) offsets(%dma_start3A_94 : memref<128xi32, #tpu.memory_space<vmem>>) semaphore(%arg8 : memref<!tpu.dma_semaphore, #tpu.memory_space<semaphore_mem>>) {add = true}
      %dma_start3A_98 = arith.constant 8 : i32
      %dma_start3A_99 = arith.constant 0 : i32
      %dma_start3A_100 = tpu.memref_slice %arg5[%dma_start3A_98, %dma_start3A_99] : memref<20x128xi32, #tpu.memory_space<vmem>> -> memref<1x128xi32, #tpu.memory_space<vmem>>
      %dma_start3A_101 = tpu.memref_squeeze %dma_start3A_100 : memref<1x128xi32, #tpu.memory_space<vmem>> -> memref<128xi32, #tpu.memory_space<vmem>>
      %dma_start3A_102 = arith.constant 0 : i32
      %dma_start3A_103 = arith.constant 0 : i32
      %dma_start3A_104 = tpu.memref_slice %arg4[%dma_start3A_102, %dma_start3A_103] : memref<10240x128xf32, #tpu.memory_space<vmem_shared>> -> memref<10240x128xf32, #tpu.memory_space<vmem_shared>>
      tpu.enqueue_indirect_dma source(%arg6 : memref<128x128xf32, #tpu.memory_space<vmem>>) target(%dma_start3A_104 : memref<10240x128xf32, #tpu.memory_space<vmem_shared>>) offsets(%dma_start3A_101 : memref<128xi32, #tpu.memory_space<vmem>>) semaphore(%arg8 : memref<!tpu.dma_semaphore, #tpu.memory_space<semaphore_mem>>) {add = true}
      %dma_start3A_105 = arith.constant 9 : i32
      %dma_start3A_106 = arith.constant 0 : i32
      %dma_start3A_107 = tpu.memref_slice %arg5[%dma_start3A_105, %dma_start3A_106] : memref<20x128xi32, #tpu.memory_space<vmem>> -> memref<1x128xi32, #tpu.memory_space<vmem>>
      %dma_start3A_108 = tpu.memref_squeeze %dma_start3A_107 : memref<1x128xi32, #tpu.memory_space<vmem>> -> memref<128xi32, #tpu.memory_space<vmem>>
      %dma_start3A_109 = arith.constant 0 : i32
      %dma_start3A_110 = arith.constant 0 : i32
      %dma_start3A_111 = tpu.memref_slice %arg4[%dma_start3A_109, %dma_start3A_110] : memref<10240x128xf32, #tpu.memory_space<vmem_shared>> -> memref<10240x128xf32, #tpu.memory_space<vmem_shared>>
      tpu.enqueue_indirect_dma source(%arg6 : memref<128x128xf32, #tpu.memory_space<vmem>>) target(%dma_start3A_111 : memref<10240x128xf32, #tpu.memory_space<vmem_shared>>) offsets(%dma_start3A_108 : memref<128xi32, #tpu.memory_space<vmem>>) semaphore(%arg8 : memref<!tpu.dma_semaphore, #tpu.memory_space<semaphore_mem>>) {add = true}
      %dma_start3A_112 = arith.constant 10 : i32
      %dma_start3A_113 = arith.constant 0 : i32
      %dma_start3A_114 = tpu.memref_slice %arg5[%dma_start3A_112, %dma_start3A_113] : memref<20x128xi32, #tpu.memory_space<vmem>> -> memref<1x128xi32, #tpu.memory_space<vmem>>
      %dma_start3A_115 = tpu.memref_squeeze %dma_start3A_114 : memref<1x128xi32, #tpu.memory_space<vmem>> -> memref<128xi32, #tpu.memory_space<vmem>>
      %dma_start3A_116 = arith.constant 0 : i32
      %dma_start3A_117 = arith.constant 0 : i32
      %dma_start3A_118 = tpu.memref_slice %arg4[%dma_start3A_116, %dma_start3A_117] : memref<10240x128xf32, #tpu.memory_space<vmem_shared>> -> memref<10240x128xf32, #tpu.memory_space<vmem_shared>>
      tpu.enqueue_indirect_dma source(%arg6 : memref<128x128xf32, #tpu.memory_space<vmem>>) target(%dma_start3A_118 : memref<10240x128xf32, #tpu.memory_space<vmem_shared>>) offsets(%dma_start3A_115 : memref<128xi32, #tpu.memory_space<vmem>>) semaphore(%arg8 : memref<!tpu.dma_semaphore, #tpu.memory_space<semaphore_mem>>) {add = true}
      %dma_start3A_119 = arith.constant 11 : i32
      %dma_start3A_120 = arith.constant 0 : i32
      %dma_start3A_121 = tpu.memref_slice %arg5[%dma_start3A_119, %dma_start3A_120] : memref<20x128xi32, #tpu.memory_space<vmem>> -> memref<1x128xi32, #tpu.memory_space<vmem>>
      %dma_start3A_122 = tpu.memref_squeeze %dma_start3A_121 : memref<1x128xi32, #tpu.memory_space<vmem>> -> memref<128xi32, #tpu.memory_space<vmem>>
      %dma_start3A_123 = arith.constant 0 : i32
      %dma_start3A_124 = arith.constant 0 : i32
      %dma_start3A_125 = tpu.memref_slice %arg4[%dma_start3A_123, %dma_start3A_124] : memref<10240x128xf32, #tpu.memory_space<vmem_shared>> -> memref<10240x128xf32, #tpu.memory_space<vmem_shared>>
      tpu.enqueue_indirect_dma source(%arg6 : memref<128x128xf32, #tpu.memory_space<vmem>>) target(%dma_start3A_125 : memref<10240x128xf32, #tpu.memory_space<vmem_shared>>) offsets(%dma_start3A_122 : memref<128xi32, #tpu.memory_space<vmem>>) semaphore(%arg8 : memref<!tpu.dma_semaphore, #tpu.memory_space<semaphore_mem>>) {add = true}
      %dma_start3A_126 = arith.constant 12 : i32
      %dma_start3A_127 = arith.constant 0 : i32
      %dma_start3A_128 = tpu.memref_slice %arg5[%dma_start3A_126, %dma_start3A_127] : memref<20x128xi32, #tpu.memory_space<vmem>> -> memref<1x128xi32, #tpu.memory_space<vmem>>
      %dma_start3A_129 = tpu.memref_squeeze %dma_start3A_128 : memref<1x128xi32, #tpu.memory_space<vmem>> -> memref<128xi32, #tpu.memory_space<vmem>>
      %dma_start3A_130 = arith.constant 0 : i32
      %dma_start3A_131 = arith.constant 0 : i32
      %dma_start3A_132 = tpu.memref_slice %arg4[%dma_start3A_130, %dma_start3A_131] : memref<10240x128xf32, #tpu.memory_space<vmem_shared>> -> memref<10240x128xf32, #tpu.memory_space<vmem_shared>>
      tpu.enqueue_indirect_dma source(%arg6 : memref<128x128xf32, #tpu.memory_space<vmem>>) target(%dma_start3A_132 : memref<10240x128xf32, #tpu.memory_space<vmem_shared>>) offsets(%dma_start3A_129 : memref<128xi32, #tpu.memory_space<vmem>>) semaphore(%arg8 : memref<!tpu.dma_semaphore, #tpu.memory_space<semaphore_mem>>) {add = true}
      %dma_start3A_133 = arith.constant 13 : i32
      %dma_start3A_134 = arith.constant 0 : i32
      %dma_start3A_135 = tpu.memref_slice %arg5[%dma_start3A_133, %dma_start3A_134] : memref<20x128xi32, #tpu.memory_space<vmem>> -> memref<1x128xi32, #tpu.memory_space<vmem>>
      %dma_start3A_136 = tpu.memref_squeeze %dma_start3A_135 : memref<1x128xi32, #tpu.memory_space<vmem>> -> memref<128xi32, #tpu.memory_space<vmem>>
      %dma_start3A_137 = arith.constant 0 : i32
      %dma_start3A_138 = arith.constant 0 : i32
      %dma_start3A_139 = tpu.memref_slice %arg4[%dma_start3A_137, %dma_start3A_138] : memref<10240x128xf32, #tpu.memory_space<vmem_shared>> -> memref<10240x128xf32, #tpu.memory_space<vmem_shared>>
      tpu.enqueue_indirect_dma source(%arg6 : memref<128x128xf32, #tpu.memory_space<vmem>>) target(%dma_start3A_139 : memref<10240x128xf32, #tpu.memory_space<vmem_shared>>) offsets(%dma_start3A_136 : memref<128xi32, #tpu.memory_space<vmem>>) semaphore(%arg8 : memref<!tpu.dma_semaphore, #tpu.memory_space<semaphore_mem>>) {add = true}
      %dma_start3A_140 = arith.constant 14 : i32
      %dma_start3A_141 = arith.constant 0 : i32
      %dma_start3A_142 = tpu.memref_slice %arg5[%dma_start3A_140, %dma_start3A_141] : memref<20x128xi32, #tpu.memory_space<vmem>> -> memref<1x128xi32, #tpu.memory_space<vmem>>
      %dma_start3A_143 = tpu.memref_squeeze %dma_start3A_142 : memref<1x128xi32, #tpu.memory_space<vmem>> -> memref<128xi32, #tpu.memory_space<vmem>>
      %dma_start3A_144 = arith.constant 0 : i32
      %dma_start3A_145 = arith.constant 0 : i32
      %dma_start3A_146 = tpu.memref_slice %arg4[%dma_start3A_144, %dma_start3A_145] : memref<10240x128xf32, #tpu.memory_space<vmem_shared>> -> memref<10240x128xf32, #tpu.memory_space<vmem_shared>>
      tpu.enqueue_indirect_dma source(%arg6 : memref<128x128xf32, #tpu.memory_space<vmem>>) target(%dma_start3A_146 : memref<10240x128xf32, #tpu.memory_space<vmem_shared>>) offsets(%dma_start3A_143 : memref<128xi32, #tpu.memory_space<vmem>>) semaphore(%arg8 : memref<!tpu.dma_semaphore, #tpu.memory_space<semaphore_mem>>) {add = true}
      %dma_start3A_147 = arith.constant 15 : i32
      %dma_start3A_148 = arith.constant 0 : i32
      %dma_start3A_149 = tpu.memref_slice %arg5[%dma_start3A_147, %dma_start3A_148] : memref<20x128xi32, #tpu.memory_space<vmem>> -> memref<1x128xi32, #tpu.memory_space<vmem>>
      %dma_start3A_150 = tpu.memref_squeeze %dma_start3A_149 : memref<1x128xi32, #tpu.memory_space<vmem>> -> memref<128xi32, #tpu.memory_space<vmem>>
      %dma_start3A_151 = arith.constant 0 : i32
      %dma_start3A_152 = arith.constant 0 : i32
      %dma_start3A_153 = tpu.memref_slice %arg4[%dma_start3A_151, %dma_start3A_152] : memref<10240x128xf32, #tpu.memory_space<vmem_shared>> -> memref<10240x128xf32, #tpu.memory_space<vmem_shared>>
      tpu.enqueue_indirect_dma source(%arg6 : memref<128x128xf32, #tpu.memory_space<vmem>>) target(%dma_start3A_153 : memref<10240x128xf32, #tpu.memory_space<vmem_shared>>) offsets(%dma_start3A_150 : memref<128xi32, #tpu.memory_space<vmem>>) semaphore(%arg8 : memref<!tpu.dma_semaphore, #tpu.memory_space<semaphore_mem>>) {add = true}
      %dma_start3A_154 = arith.constant 16 : i32
      %dma_start3A_155 = arith.constant 0 : i32
      %dma_start3A_156 = tpu.memref_slice %arg5[%dma_start3A_154, %dma_start3A_155] : memref<20x128xi32, #tpu.memory_space<vmem>> -> memref<1x128xi32, #tpu.memory_space<vmem>>
      %dma_start3A_157 = tpu.memref_squeeze %dma_start3A_156 : memref<1x128xi32, #tpu.memory_space<vmem>> -> memref<128xi32, #tpu.memory_space<vmem>>
      %dma_start3A_158 = arith.constant 0 : i32
      %dma_start3A_159 = arith.constant 0 : i32
      %dma_start3A_160 = tpu.memref_slice %arg4[%dma_start3A_158, %dma_start3A_159] : memref<10240x128xf32, #tpu.memory_space<vmem_shared>> -> memref<10240x128xf32, #tpu.memory_space<vmem_shared>>
      tpu.enqueue_indirect_dma source(%arg6 : memref<128x128xf32, #tpu.memory_space<vmem>>) target(%dma_start3A_160 : memref<10240x128xf32, #tpu.memory_space<vmem_shared>>) offsets(%dma_start3A_157 : memref<128xi32, #tpu.memory_space<vmem>>) semaphore(%arg8 : memref<!tpu.dma_semaphore, #tpu.memory_space<semaphore_mem>>) {add = true}
      %dma_start3A_161 = arith.constant 17 : i32
      %dma_start3A_162 = arith.constant 0 : i32
      %dma_start3A_163 = tpu.memref_slice %arg5[%dma_start3A_161, %dma_start3A_162] : memref<20x128xi32, #tpu.memory_space<vmem>> -> memref<1x128xi32, #tpu.memory_space<vmem>>
      %dma_start3A_164 = tpu.memref_squeeze %dma_start3A_163 : memref<1x128xi32, #tpu.memory_space<vmem>> -> memref<128xi32, #tpu.memory_space<vmem>>
      %dma_start3A_165 = arith.constant 0 : i32
      %dma_start3A_166 = arith.constant 0 : i32
      %dma_start3A_167 = tpu.memref_slice %arg4[%dma_start3A_165, %dma_start3A_166] : memref<10240x128xf32, #tpu.memory_space<vmem_shared>> -> memref<10240x128xf32, #tpu.memory_space<vmem_shared>>
      tpu.enqueue_indirect_dma source(%arg6 : memref<128x128xf32, #tpu.memory_space<vmem>>) target(%dma_start3A_167 : memref<10240x128xf32, #tpu.memory_space<vmem_shared>>) offsets(%dma_start3A_164 : memref<128xi32, #tpu.memory_space<vmem>>) semaphore(%arg8 : memref<!tpu.dma_semaphore, #tpu.memory_space<semaphore_mem>>) {add = true}
      %dma_start3A_168 = arith.constant 18 : i32
      %dma_start3A_169 = arith.constant 0 : i32
      %dma_start3A_170 = tpu.memref_slice %arg5[%dma_start3A_168, %dma_start3A_169] : memref<20x128xi32, #tpu.memory_space<vmem>> -> memref<1x128xi32, #tpu.memory_space<vmem>>
      %dma_start3A_171 = tpu.memref_squeeze %dma_start3A_170 : memref<1x128xi32, #tpu.memory_space<vmem>> -> memref<128xi32, #tpu.memory_space<vmem>>
      %dma_start3A_172 = arith.constant 0 : i32
      %dma_start3A_173 = arith.constant 0 : i32
      %dma_start3A_174 = tpu.memref_slice %arg4[%dma_start3A_172, %dma_start3A_173] : memref<10240x128xf32, #tpu.memory_space<vmem_shared>> -> memref<10240x128xf32, #tpu.memory_space<vmem_shared>>
      tpu.enqueue_indirect_dma source(%arg6 : memref<128x128xf32, #tpu.memory_space<vmem>>) target(%dma_start3A_174 : memref<10240x128xf32, #tpu.memory_space<vmem_shared>>) offsets(%dma_start3A_171 : memref<128xi32, #tpu.memory_space<vmem>>) semaphore(%arg8 : memref<!tpu.dma_semaphore, #tpu.memory_space<semaphore_mem>>) {add = true}
      %dma_start3A_175 = arith.constant 19 : i32
      %dma_start3A_176 = arith.constant 0 : i32
      %dma_start3A_177 = tpu.memref_slice %arg5[%dma_start3A_175, %dma_start3A_176] : memref<20x128xi32, #tpu.memory_space<vmem>> -> memref<1x128xi32, #tpu.memory_space<vmem>>
      %dma_start3A_178 = tpu.memref_squeeze %dma_start3A_177 : memref<1x128xi32, #tpu.memory_space<vmem>> -> memref<128xi32, #tpu.memory_space<vmem>>
      %dma_start3A_179 = arith.constant 0 : i32
      %dma_start3A_180 = arith.constant 0 : i32
      %dma_start3A_181 = tpu.memref_slice %arg4[%dma_start3A_179, %dma_start3A_180] : memref<10240x128xf32, #tpu.memory_space<vmem_shared>> -> memref<10240x128xf32, #tpu.memory_space<vmem_shared>>
      tpu.enqueue_indirect_dma source(%arg6 : memref<128x128xf32, #tpu.memory_space<vmem>>) target(%dma_start3A_181 : memref<10240x128xf32, #tpu.memory_space<vmem_shared>>) offsets(%dma_start3A_178 : memref<128xi32, #tpu.memory_space<vmem>>) semaphore(%arg8 : memref<!tpu.dma_semaphore, #tpu.memory_space<semaphore_mem>>) {add = true}
      %dma_wait3A = arith.constant 0 : i32
      %dma_wait3A_182 = arith.constant 0 : i32
      %dma_wait3A_183 = tpu.memref_slice %arg5[%dma_wait3A, %dma_wait3A_182] : memref<20x128xi32, #tpu.memory_space<vmem>> -> memref<1x128xi32, #tpu.memory_space<vmem>>
      %dma_wait3A_184 = tpu.memref_squeeze %dma_wait3A_183 : memref<1x128xi32, #tpu.memory_space<vmem>> -> memref<128xi32, #tpu.memory_space<vmem>>
      %dma_wait3A_185 = arith.constant 0 : i32
      %dma_wait3A_186 = arith.constant 0 : i32
      %dma_wait3A_187 = tpu.memref_slice %arg4[%dma_wait3A_185, %dma_wait3A_186] : memref<10240x128xf32, #tpu.memory_space<vmem_shared>> -> memref<10240x128xf32, #tpu.memory_space<vmem_shared>>
      tpu.wait_indirect_dma semaphore(%arg8 : memref<!tpu.dma_semaphore, #tpu.memory_space<semaphore_mem>>) src(%arg6 : memref<128x128xf32, #tpu.memory_space<vmem>>) dst(%dma_wait3A_187 : memref<10240x128xf32, #tpu.memory_space<vmem_shared>>)
      %dma_wait3A_188 = arith.constant 1 : i32
      %dma_wait3A_189 = arith.constant 0 : i32
      %dma_wait3A_190 = tpu.memref_slice %arg5[%dma_wait3A_188, %dma_wait3A_189] : memref<20x128xi32, #tpu.memory_space<vmem>> -> memref<1x128xi32, #tpu.memory_space<vmem>>
      %dma_wait3A_191 = tpu.memref_squeeze %dma_wait3A_190 : memref<1x128xi32, #tpu.memory_space<vmem>> -> memref<128xi32, #tpu.memory_space<vmem>>
      %dma_wait3A_192 = arith.constant 0 : i32
      %dma_wait3A_193 = arith.constant 0 : i32
      %dma_wait3A_194 = tpu.memref_slice %arg4[%dma_wait3A_192, %dma_wait3A_193] : memref<10240x128xf32, #tpu.memory_space<vmem_shared>> -> memref<10240x128xf32, #tpu.memory_space<vmem_shared>>
      tpu.wait_indirect_dma semaphore(%arg8 : memref<!tpu.dma_semaphore, #tpu.memory_space<semaphore_mem>>) src(%arg6 : memref<128x128xf32, #tpu.memory_space<vmem>>) dst(%dma_wait3A_194 : memref<10240x128xf32, #tpu.memory_space<vmem_shared>>)
      %dma_wait3A_195 = arith.constant 2 : i32
      %dma_wait3A_196 = arith.constant 0 : i32
      %dma_wait3A_197 = tpu.memref_slice %arg5[%dma_wait3A_195, %dma_wait3A_196] : memref<20x128xi32, #tpu.memory_space<vmem>> -> memref<1x128xi32, #tpu.memory_space<vmem>>
      %dma_wait3A_198 = tpu.memref_squeeze %dma_wait3A_197 : memref<1x128xi32, #tpu.memory_space<vmem>> -> memref<128xi32, #tpu.memory_space<vmem>>
      %dma_wait3A_199 = arith.constant 0 : i32
      %dma_wait3A_200 = arith.constant 0 : i32
      %dma_wait3A_201 = tpu.memref_slice %arg4[%dma_wait3A_199, %dma_wait3A_200] : memref<10240x128xf32, #tpu.memory_space<vmem_shared>> -> memref<10240x128xf32, #tpu.memory_space<vmem_shared>>
      tpu.wait_indirect_dma semaphore(%arg8 : memref<!tpu.dma_semaphore, #tpu.memory_space<semaphore_mem>>) src(%arg6 : memref<128x128xf32, #tpu.memory_space<vmem>>) dst(%dma_wait3A_201 : memref<10240x128xf32, #tpu.memory_space<vmem_shared>>)
      %dma_wait3A_202 = arith.constant 3 : i32
      %dma_wait3A_203 = arith.constant 0 : i32
      %dma_wait3A_204 = tpu.memref_slice %arg5[%dma_wait3A_202, %dma_wait3A_203] : memref<20x128xi32, #tpu.memory_space<vmem>> -> memref<1x128xi32, #tpu.memory_space<vmem>>
      %dma_wait3A_205 = tpu.memref_squeeze %dma_wait3A_204 : memref<1x128xi32, #tpu.memory_space<vmem>> -> memref<128xi32, #tpu.memory_space<vmem>>
      %dma_wait3A_206 = arith.constant 0 : i32
      %dma_wait3A_207 = arith.constant 0 : i32
      %dma_wait3A_208 = tpu.memref_slice %arg4[%dma_wait3A_206, %dma_wait3A_207] : memref<10240x128xf32, #tpu.memory_space<vmem_shared>> -> memref<10240x128xf32, #tpu.memory_space<vmem_shared>>
      tpu.wait_indirect_dma semaphore(%arg8 : memref<!tpu.dma_semaphore, #tpu.memory_space<semaphore_mem>>) src(%arg6 : memref<128x128xf32, #tpu.memory_space<vmem>>) dst(%dma_wait3A_208 : memref<10240x128xf32, #tpu.memory_space<vmem_shared>>)
      %dma_wait3A_209 = arith.constant 4 : i32
      %dma_wait3A_210 = arith.constant 0 : i32
      %dma_wait3A_211 = tpu.memref_slice %arg5[%dma_wait3A_209, %dma_wait3A_210] : memref<20x128xi32, #tpu.memory_space<vmem>> -> memref<1x128xi32, #tpu.memory_space<vmem>>
      %dma_wait3A_212 = tpu.memref_squeeze %dma_wait3A_211 : memref<1x128xi32, #tpu.memory_space<vmem>> -> memref<128xi32, #tpu.memory_space<vmem>>
      %dma_wait3A_213 = arith.constant 0 : i32
      %dma_wait3A_214 = arith.constant 0 : i32
      %dma_wait3A_215 = tpu.memref_slice %arg4[%dma_wait3A_213, %dma_wait3A_214] : memref<10240x128xf32, #tpu.memory_space<vmem_shared>> -> memref<10240x128xf32, #tpu.memory_space<vmem_shared>>
      tpu.wait_indirect_dma semaphore(%arg8 : memref<!tpu.dma_semaphore, #tpu.memory_space<semaphore_mem>>) src(%arg6 : memref<128x128xf32, #tpu.memory_space<vmem>>) dst(%dma_wait3A_215 : memref<10240x128xf32, #tpu.memory_space<vmem_shared>>)
      %dma_wait3A_216 = arith.constant 5 : i32
      %dma_wait3A_217 = arith.constant 0 : i32
      %dma_wait3A_218 = tpu.memref_slice %arg5[%dma_wait3A_216, %dma_wait3A_217] : memref<20x128xi32, #tpu.memory_space<vmem>> -> memref<1x128xi32, #tpu.memory_space<vmem>>
      %dma_wait3A_219 = tpu.memref_squeeze %dma_wait3A_218 : memref<1x128xi32, #tpu.memory_space<vmem>> -> memref<128xi32, #tpu.memory_space<vmem>>
      %dma_wait3A_220 = arith.constant 0 : i32
      %dma_wait3A_221 = arith.constant 0 : i32
      %dma_wait3A_222 = tpu.memref_slice %arg4[%dma_wait3A_220, %dma_wait3A_221] : memref<10240x128xf32, #tpu.memory_space<vmem_shared>> -> memref<10240x128xf32, #tpu.memory_space<vmem_shared>>
      tpu.wait_indirect_dma semaphore(%arg8 : memref<!tpu.dma_semaphore, #tpu.memory_space<semaphore_mem>>) src(%arg6 : memref<128x128xf32, #tpu.memory_space<vmem>>) dst(%dma_wait3A_222 : memref<10240x128xf32, #tpu.memory_space<vmem_shared>>)
      %dma_wait3A_223 = arith.constant 6 : i32
      %dma_wait3A_224 = arith.constant 0 : i32
      %dma_wait3A_225 = tpu.memref_slice %arg5[%dma_wait3A_223, %dma_wait3A_224] : memref<20x128xi32, #tpu.memory_space<vmem>> -> memref<1x128xi32, #tpu.memory_space<vmem>>
      %dma_wait3A_226 = tpu.memref_squeeze %dma_wait3A_225 : memref<1x128xi32, #tpu.memory_space<vmem>> -> memref<128xi32, #tpu.memory_space<vmem>>
      %dma_wait3A_227 = arith.constant 0 : i32
      %dma_wait3A_228 = arith.constant 0 : i32
      %dma_wait3A_229 = tpu.memref_slice %arg4[%dma_wait3A_227, %dma_wait3A_228] : memref<10240x128xf32, #tpu.memory_space<vmem_shared>> -> memref<10240x128xf32, #tpu.memory_space<vmem_shared>>
      tpu.wait_indirect_dma semaphore(%arg8 : memref<!tpu.dma_semaphore, #tpu.memory_space<semaphore_mem>>) src(%arg6 : memref<128x128xf32, #tpu.memory_space<vmem>>) dst(%dma_wait3A_229 : memref<10240x128xf32, #tpu.memory_space<vmem_shared>>)
      %dma_wait3A_230 = arith.constant 7 : i32
      %dma_wait3A_231 = arith.constant 0 : i32
      %dma_wait3A_232 = tpu.memref_slice %arg5[%dma_wait3A_230, %dma_wait3A_231] : memref<20x128xi32, #tpu.memory_space<vmem>> -> memref<1x128xi32, #tpu.memory_space<vmem>>
      %dma_wait3A_233 = tpu.memref_squeeze %dma_wait3A_232 : memref<1x128xi32, #tpu.memory_space<vmem>> -> memref<128xi32, #tpu.memory_space<vmem>>
      %dma_wait3A_234 = arith.constant 0 : i32
      %dma_wait3A_235 = arith.constant 0 : i32
      %dma_wait3A_236 = tpu.memref_slice %arg4[%dma_wait3A_234, %dma_wait3A_235] : memref<10240x128xf32, #tpu.memory_space<vmem_shared>> -> memref<10240x128xf32, #tpu.memory_space<vmem_shared>>
      tpu.wait_indirect_dma semaphore(%arg8 : memref<!tpu.dma_semaphore, #tpu.memory_space<semaphore_mem>>) src(%arg6 : memref<128x128xf32, #tpu.memory_space<vmem>>) dst(%dma_wait3A_236 : memref<10240x128xf32, #tpu.memory_space<vmem_shared>>)
      %dma_wait3A_237 = arith.constant 8 : i32
      %dma_wait3A_238 = arith.constant 0 : i32
      %dma_wait3A_239 = tpu.memref_slice %arg5[%dma_wait3A_237, %dma_wait3A_238] : memref<20x128xi32, #tpu.memory_space<vmem>> -> memref<1x128xi32, #tpu.memory_space<vmem>>
      %dma_wait3A_240 = tpu.memref_squeeze %dma_wait3A_239 : memref<1x128xi32, #tpu.memory_space<vmem>> -> memref<128xi32, #tpu.memory_space<vmem>>
      %dma_wait3A_241 = arith.constant 0 : i32
      %dma_wait3A_242 = arith.constant 0 : i32
      %dma_wait3A_243 = tpu.memref_slice %arg4[%dma_wait3A_241, %dma_wait3A_242] : memref<10240x128xf32, #tpu.memory_space<vmem_shared>> -> memref<10240x128xf32, #tpu.memory_space<vmem_shared>>
      tpu.wait_indirect_dma semaphore(%arg8 : memref<!tpu.dma_semaphore, #tpu.memory_space<semaphore_mem>>) src(%arg6 : memref<128x128xf32, #tpu.memory_space<vmem>>) dst(%dma_wait3A_243 : memref<10240x128xf32, #tpu.memory_space<vmem_shared>>)
      %dma_wait3A_244 = arith.constant 9 : i32
      %dma_wait3A_245 = arith.constant 0 : i32
      %dma_wait3A_246 = tpu.memref_slice %arg5[%dma_wait3A_244, %dma_wait3A_245] : memref<20x128xi32, #tpu.memory_space<vmem>> -> memref<1x128xi32, #tpu.memory_space<vmem>>
      %dma_wait3A_247 = tpu.memref_squeeze %dma_wait3A_246 : memref<1x128xi32, #tpu.memory_space<vmem>> -> memref<128xi32, #tpu.memory_space<vmem>>
      %dma_wait3A_248 = arith.constant 0 : i32
      %dma_wait3A_249 = arith.constant 0 : i32
      %dma_wait3A_250 = tpu.memref_slice %arg4[%dma_wait3A_248, %dma_wait3A_249] : memref<10240x128xf32, #tpu.memory_space<vmem_shared>> -> memref<10240x128xf32, #tpu.memory_space<vmem_shared>>
      tpu.wait_indirect_dma semaphore(%arg8 : memref<!tpu.dma_semaphore, #tpu.memory_space<semaphore_mem>>) src(%arg6 : memref<128x128xf32, #tpu.memory_space<vmem>>) dst(%dma_wait3A_250 : memref<10240x128xf32, #tpu.memory_space<vmem_shared>>)
      %dma_wait3A_251 = arith.constant 10 : i32
      %dma_wait3A_252 = arith.constant 0 : i32
      %dma_wait3A_253 = tpu.memref_slice %arg5[%dma_wait3A_251, %dma_wait3A_252] : memref<20x128xi32, #tpu.memory_space<vmem>> -> memref<1x128xi32, #tpu.memory_space<vmem>>
      %dma_wait3A_254 = tpu.memref_squeeze %dma_wait3A_253 : memref<1x128xi32, #tpu.memory_space<vmem>> -> memref<128xi32, #tpu.memory_space<vmem>>
      %dma_wait3A_255 = arith.constant 0 : i32
      %dma_wait3A_256 = arith.constant 0 : i32
      %dma_wait3A_257 = tpu.memref_slice %arg4[%dma_wait3A_255, %dma_wait3A_256] : memref<10240x128xf32, #tpu.memory_space<vmem_shared>> -> memref<10240x128xf32, #tpu.memory_space<vmem_shared>>
      tpu.wait_indirect_dma semaphore(%arg8 : memref<!tpu.dma_semaphore, #tpu.memory_space<semaphore_mem>>) src(%arg6 : memref<128x128xf32, #tpu.memory_space<vmem>>) dst(%dma_wait3A_257 : memref<10240x128xf32, #tpu.memory_space<vmem_shared>>)
      %dma_wait3A_258 = arith.constant 11 : i32
      %dma_wait3A_259 = arith.constant 0 : i32
      %dma_wait3A_260 = tpu.memref_slice %arg5[%dma_wait3A_258, %dma_wait3A_259] : memref<20x128xi32, #tpu.memory_space<vmem>> -> memref<1x128xi32, #tpu.memory_space<vmem>>
      %dma_wait3A_261 = tpu.memref_squeeze %dma_wait3A_260 : memref<1x128xi32, #tpu.memory_space<vmem>> -> memref<128xi32, #tpu.memory_space<vmem>>
      %dma_wait3A_262 = arith.constant 0 : i32
      %dma_wait3A_263 = arith.constant 0 : i32
      %dma_wait3A_264 = tpu.memref_slice %arg4[%dma_wait3A_262, %dma_wait3A_263] : memref<10240x128xf32, #tpu.memory_space<vmem_shared>> -> memref<10240x128xf32, #tpu.memory_space<vmem_shared>>
      tpu.wait_indirect_dma semaphore(%arg8 : memref<!tpu.dma_semaphore, #tpu.memory_space<semaphore_mem>>) src(%arg6 : memref<128x128xf32, #tpu.memory_space<vmem>>) dst(%dma_wait3A_264 : memref<10240x128xf32, #tpu.memory_space<vmem_shared>>)
      %dma_wait3A_265 = arith.constant 12 : i32
      %dma_wait3A_266 = arith.constant 0 : i32
      %dma_wait3A_267 = tpu.memref_slice %arg5[%dma_wait3A_265, %dma_wait3A_266] : memref<20x128xi32, #tpu.memory_space<vmem>> -> memref<1x128xi32, #tpu.memory_space<vmem>>
      %dma_wait3A_268 = tpu.memref_squeeze %dma_wait3A_267 : memref<1x128xi32, #tpu.memory_space<vmem>> -> memref<128xi32, #tpu.memory_space<vmem>>
      %dma_wait3A_269 = arith.constant 0 : i32
      %dma_wait3A_270 = arith.constant 0 : i32
      %dma_wait3A_271 = tpu.memref_slice %arg4[%dma_wait3A_269, %dma_wait3A_270] : memref<10240x128xf32, #tpu.memory_space<vmem_shared>> -> memref<10240x128xf32, #tpu.memory_space<vmem_shared>>
      tpu.wait_indirect_dma semaphore(%arg8 : memref<!tpu.dma_semaphore, #tpu.memory_space<semaphore_mem>>) src(%arg6 : memref<128x128xf32, #tpu.memory_space<vmem>>) dst(%dma_wait3A_271 : memref<10240x128xf32, #tpu.memory_space<vmem_shared>>)
      %dma_wait3A_272 = arith.constant 13 : i32
      %dma_wait3A_273 = arith.constant 0 : i32
      %dma_wait3A_274 = tpu.memref_slice %arg5[%dma_wait3A_272, %dma_wait3A_273] : memref<20x128xi32, #tpu.memory_space<vmem>> -> memref<1x128xi32, #tpu.memory_space<vmem>>
      %dma_wait3A_275 = tpu.memref_squeeze %dma_wait3A_274 : memref<1x128xi32, #tpu.memory_space<vmem>> -> memref<128xi32, #tpu.memory_space<vmem>>
      %dma_wait3A_276 = arith.constant 0 : i32
      %dma_wait3A_277 = arith.constant 0 : i32
      %dma_wait3A_278 = tpu.memref_slice %arg4[%dma_wait3A_276, %dma_wait3A_277] : memref<10240x128xf32, #tpu.memory_space<vmem_shared>> -> memref<10240x128xf32, #tpu.memory_space<vmem_shared>>
      tpu.wait_indirect_dma semaphore(%arg8 : memref<!tpu.dma_semaphore, #tpu.memory_space<semaphore_mem>>) src(%arg6 : memref<128x128xf32, #tpu.memory_space<vmem>>) dst(%dma_wait3A_278 : memref<10240x128xf32, #tpu.memory_space<vmem_shared>>)
      %dma_wait3A_279 = arith.constant 14 : i32
      %dma_wait3A_280 = arith.constant 0 : i32
      %dma_wait3A_281 = tpu.memref_slice %arg5[%dma_wait3A_279, %dma_wait3A_280] : memref<20x128xi32, #tpu.memory_space<vmem>> -> memref<1x128xi32, #tpu.memory_space<vmem>>
      %dma_wait3A_282 = tpu.memref_squeeze %dma_wait3A_281 : memref<1x128xi32, #tpu.memory_space<vmem>> -> memref<128xi32, #tpu.memory_space<vmem>>
      %dma_wait3A_283 = arith.constant 0 : i32
      %dma_wait3A_284 = arith.constant 0 : i32
      %dma_wait3A_285 = tpu.memref_slice %arg4[%dma_wait3A_283, %dma_wait3A_284] : memref<10240x128xf32, #tpu.memory_space<vmem_shared>> -> memref<10240x128xf32, #tpu.memory_space<vmem_shared>>
      tpu.wait_indirect_dma semaphore(%arg8 : memref<!tpu.dma_semaphore, #tpu.memory_space<semaphore_mem>>) src(%arg6 : memref<128x128xf32, #tpu.memory_space<vmem>>) dst(%dma_wait3A_285 : memref<10240x128xf32, #tpu.memory_space<vmem_shared>>)
      %dma_wait3A_286 = arith.constant 15 : i32
      %dma_wait3A_287 = arith.constant 0 : i32
      %dma_wait3A_288 = tpu.memref_slice %arg5[%dma_wait3A_286, %dma_wait3A_287] : memref<20x128xi32, #tpu.memory_space<vmem>> -> memref<1x128xi32, #tpu.memory_space<vmem>>
      %dma_wait3A_289 = tpu.memref_squeeze %dma_wait3A_288 : memref<1x128xi32, #tpu.memory_space<vmem>> -> memref<128xi32, #tpu.memory_space<vmem>>
      %dma_wait3A_290 = arith.constant 0 : i32
      %dma_wait3A_291 = arith.constant 0 : i32
      %dma_wait3A_292 = tpu.memref_slice %arg4[%dma_wait3A_290, %dma_wait3A_291] : memref<10240x128xf32, #tpu.memory_space<vmem_shared>> -> memref<10240x128xf32, #tpu.memory_space<vmem_shared>>
      tpu.wait_indirect_dma semaphore(%arg8 : memref<!tpu.dma_semaphore, #tpu.memory_space<semaphore_mem>>) src(%arg6 : memref<128x128xf32, #tpu.memory_space<vmem>>) dst(%dma_wait3A_292 : memref<10240x128xf32, #tpu.memory_space<vmem_shared>>)
      %dma_wait3A_293 = arith.constant 16 : i32
      %dma_wait3A_294 = arith.constant 0 : i32
      %dma_wait3A_295 = tpu.memref_slice %arg5[%dma_wait3A_293, %dma_wait3A_294] : memref<20x128xi32, #tpu.memory_space<vmem>> -> memref<1x128xi32, #tpu.memory_space<vmem>>
      %dma_wait3A_296 = tpu.memref_squeeze %dma_wait3A_295 : memref<1x128xi32, #tpu.memory_space<vmem>> -> memref<128xi32, #tpu.memory_space<vmem>>
      %dma_wait3A_297 = arith.constant 0 : i32
      %dma_wait3A_298 = arith.constant 0 : i32
      %dma_wait3A_299 = tpu.memref_slice %arg4[%dma_wait3A_297, %dma_wait3A_298] : memref<10240x128xf32, #tpu.memory_space<vmem_shared>> -> memref<10240x128xf32, #tpu.memory_space<vmem_shared>>
      tpu.wait_indirect_dma semaphore(%arg8 : memref<!tpu.dma_semaphore, #tpu.memory_space<semaphore_mem>>) src(%arg6 : memref<128x128xf32, #tpu.memory_space<vmem>>) dst(%dma_wait3A_299 : memref<10240x128xf32, #tpu.memory_space<vmem_shared>>)
      %dma_wait3A_300 = arith.constant 17 : i32
      %dma_wait3A_301 = arith.constant 0 : i32
      %dma_wait3A_302 = tpu.memref_slice %arg5[%dma_wait3A_300, %dma_wait3A_301] : memref<20x128xi32, #tpu.memory_space<vmem>> -> memref<1x128xi32, #tpu.memory_space<vmem>>
      %dma_wait3A_303 = tpu.memref_squeeze %dma_wait3A_302 : memref<1x128xi32, #tpu.memory_space<vmem>> -> memref<128xi32, #tpu.memory_space<vmem>>
      %dma_wait3A_304 = arith.constant 0 : i32
      %dma_wait3A_305 = arith.constant 0 : i32
      %dma_wait3A_306 = tpu.memref_slice %arg4[%dma_wait3A_304, %dma_wait3A_305] : memref<10240x128xf32, #tpu.memory_space<vmem_shared>> -> memref<10240x128xf32, #tpu.memory_space<vmem_shared>>
      tpu.wait_indirect_dma semaphore(%arg8 : memref<!tpu.dma_semaphore, #tpu.memory_space<semaphore_mem>>) src(%arg6 : memref<128x128xf32, #tpu.memory_space<vmem>>) dst(%dma_wait3A_306 : memref<10240x128xf32, #tpu.memory_space<vmem_shared>>)
      %dma_wait3A_307 = arith.constant 18 : i32
      %dma_wait3A_308 = arith.constant 0 : i32
      %dma_wait3A_309 = tpu.memref_slice %arg5[%dma_wait3A_307, %dma_wait3A_308] : memref<20x128xi32, #tpu.memory_space<vmem>> -> memref<1x128xi32, #tpu.memory_space<vmem>>
      %dma_wait3A_310 = tpu.memref_squeeze %dma_wait3A_309 : memref<1x128xi32, #tpu.memory_space<vmem>> -> memref<128xi32, #tpu.memory_space<vmem>>
      %dma_wait3A_311 = arith.constant 0 : i32
      %dma_wait3A_312 = arith.constant 0 : i32
      %dma_wait3A_313 = tpu.memref_slice %arg4[%dma_wait3A_311, %dma_wait3A_312] : memref<10240x128xf32, #tpu.memory_space<vmem_shared>> -> memref<10240x128xf32, #tpu.memory_space<vmem_shared>>
      tpu.wait_indirect_dma semaphore(%arg8 : memref<!tpu.dma_semaphore, #tpu.memory_space<semaphore_mem>>) src(%arg6 : memref<128x128xf32, #tpu.memory_space<vmem>>) dst(%dma_wait3A_313 : memref<10240x128xf32, #tpu.memory_space<vmem_shared>>)
      %dma_wait3A_314 = arith.constant 19 : i32
      %dma_wait3A_315 = arith.constant 0 : i32
      %dma_wait3A_316 = tpu.memref_slice %arg5[%dma_wait3A_314, %dma_wait3A_315] : memref<20x128xi32, #tpu.memory_space<vmem>> -> memref<1x128xi32, #tpu.memory_space<vmem>>
      %dma_wait3A_317 = tpu.memref_squeeze %dma_wait3A_316 : memref<1x128xi32, #tpu.memory_space<vmem>> -> memref<128xi32, #tpu.memory_space<vmem>>
      %dma_wait3A_318 = arith.constant 0 : i32
      %dma_wait3A_319 = arith.constant 0 : i32
      %dma_wait3A_320 = tpu.memref_slice %arg4[%dma_wait3A_318, %dma_wait3A_319] : memref<10240x128xf32, #tpu.memory_space<vmem_shared>> -> memref<10240x128xf32, #tpu.memory_space<vmem_shared>>
      tpu.wait_indirect_dma semaphore(%arg8 : memref<!tpu.dma_semaphore, #tpu.memory_space<semaphore_mem>>) src(%arg6 : memref<128x128xf32, #tpu.memory_space<vmem>>) dst(%dma_wait3A_320 : memref<10240x128xf32, #tpu.memory_space<vmem_shared>>)
      %scan3A_321 = arith.constant 0 : i32
      scf.yield %scan3A_321 : i32
    }
    %scan3A_32 = arith.constant 4 : i32
    %barrier3A_33 = arith.constant 0 : index
    tpu.barrier barrier_id(%barrier3A_33)
    %scan3A_34 = arith.constant 0 : i32
    %scan3A_35 = arith.constant 0 : i32
    %scan3A_36 = arith.constant 20 : i32
    %scan3A_37 = arith.addi %scan3A_35, %scan3A_36 : i32
    %scan3A_38 = arith.constant 1 : i32
    %scan3A_39 = scf.for %scan3A_41 = %scan3A_35 to %scan3A_37 step %scan3A_38 iter_args(%scan3A_42 = %scan3A_34) -> (i32)  : i32 {
      %mul3A_43 = arith.constant 32 : i32
      %mul3A_44 = arith.muli %scan3A_41, %mul3A_43 : i32
      %add3A_45 = arith.addi %mul3A_2, %mul3A_44 : i32
      %multiple_of3A = tpu.assume_multiple %add3A_45, 32 : i32
      "tpu.region"() ({
        %run_scoped3A = tpu.sem_alloc : memref<!tpu.dma_semaphore, #tpu.memory_space<semaphore_mem>>
        %dma_start3A = arith.constant 0 : i32
        %dma_start3A_47 = tpu.memref_slice %arg4[%multiple_of3A, %dma_start3A] : memref<10240x128xf32, #tpu.memory_space<vmem_shared>> -> memref<32x128xf32, #tpu.memory_space<vmem_shared>>
        %dma_start3A_48 = arith.constant 0 : i32
        %dma_start3A_49 = tpu.memref_slice %arg4[%multiple_of3A, %dma_start3A_48] : memref<10240x128xf32, #tpu.memory_space<vmem_shared>> -> memref<32x128xf32, #tpu.memory_space<vmem_shared>>
        tpu.enqueue_dma source(%dma_start3A_49 : memref<32x128xf32, #tpu.memory_space<vmem_shared>>) target(%arg7 : memref<32x128xf32, #tpu.memory_space<vmem>>) target_semaphore(%run_scoped3A : memref<!tpu.dma_semaphore, #tpu.memory_space<semaphore_mem>>)
        %dma_wait3A = arith.constant 0 : i32
        %dma_wait3A_50 = tpu.memref_slice %arg4[%multiple_of3A, %dma_wait3A] : memref<10240x128xf32, #tpu.memory_space<vmem_shared>> -> memref<32x128xf32, #tpu.memory_space<vmem_shared>>
        %dma_wait3A_51 = arith.constant 0 : i32
        %dma_wait3A_52 = tpu.memref_slice %arg4[%multiple_of3A, %dma_wait3A_51] : memref<10240x128xf32, #tpu.memory_space<vmem_shared>> -> memref<32x128xf32, #tpu.memory_space<vmem_shared>>
        tpu.wait_dma2 semaphore(%run_scoped3A : memref<!tpu.dma_semaphore, #tpu.memory_space<semaphore_mem>>) src(%dma_wait3A_52 : memref<32x128xf32, #tpu.memory_space<vmem_shared>>) dst(%arg7 : memref<32x128xf32, #tpu.memory_space<vmem>>)
        tpu.yield
      }) : () -> ()
      "tpu.region"() ({
        %run_scoped3A = tpu.sem_alloc : memref<!tpu.dma_semaphore, #tpu.memory_space<semaphore_mem>>
        %dma_start3A = arith.constant 0 : i32
        %dma_start3A_47 = tpu.memref_slice %arg3[%arg0, %multiple_of3A, %dma_start3A] : memref<2x10240x128xf32, #tpu.memory_space<hbm>> -> memref<1x32x128xf32, #tpu.memory_space<hbm>>
        %dma_start3A_48 = tpu.memref_squeeze %dma_start3A_47 : memref<1x32x128xf32, #tpu.memory_space<hbm>> -> memref<32x128xf32, #tpu.memory_space<hbm>>
        %dma_start3A_49 = arith.constant 0 : i32
        %dma_start3A_50 = tpu.memref_slice %arg3[%arg0, %multiple_of3A, %dma_start3A_49] : memref<2x10240x128xf32, #tpu.memory_space<hbm>> -> memref<1x32x128xf32, #tpu.memory_space<hbm>>
        %dma_start3A_51 = tpu.memref_squeeze %dma_start3A_50 : memref<1x32x128xf32, #tpu.memory_space<hbm>> -> memref<32x128xf32, #tpu.memory_space<hbm>>
        tpu.enqueue_dma source(%arg7 : memref<32x128xf32, #tpu.memory_space<vmem>>) target(%dma_start3A_51 : memref<32x128xf32, #tpu.memory_space<hbm>>) target_semaphore(%run_scoped3A : memref<!tpu.dma_semaphore, #tpu.memory_space<semaphore_mem>>)
        %dma_wait3A = arith.constant 0 : i32
        %dma_wait3A_52 = tpu.memref_slice %arg3[%arg0, %multiple_of3A, %dma_wait3A] : memref<2x10240x128xf32, #tpu.memory_space<hbm>> -> memref<1x32x128xf32, #tpu.memory_space<hbm>>
        %dma_wait3A_53 = tpu.memref_squeeze %dma_wait3A_52 : memref<1x32x128xf32, #tpu.memory_space<hbm>> -> memref<32x128xf32, #tpu.memory_space<hbm>>
        %dma_wait3A_54 = arith.constant 0 : i32
        %dma_wait3A_55 = tpu.memref_slice %arg3[%arg0, %multiple_of3A, %dma_wait3A_54] : memref<2x10240x128xf32, #tpu.memory_space<hbm>> -> memref<1x32x128xf32, #tpu.memory_space<hbm>>
        %dma_wait3A_56 = tpu.memref_squeeze %dma_wait3A_55 : memref<1x32x128xf32, #tpu.memory_space<hbm>> -> memref<32x128xf32, #tpu.memory_space<hbm>>
        tpu.wait_dma2 semaphore(%run_scoped3A : memref<!tpu.dma_semaphore, #tpu.memory_space<semaphore_mem>>) src(%arg7 : memref<32x128xf32, #tpu.memory_space<vmem>>) dst(%dma_wait3A_56 : memref<32x128xf32, #tpu.memory_space<hbm>>)
        tpu.yield
      }) : () -> ()
      %scan3A_46 = arith.constant 0 : i32
      scf.yield %scan3A_46 : i32
    }
    %scan3A_40 = arith.constant 20 : i32
    return
  }
}

module attributes {stable_mosaic.version = 14 : i64} {
  func.func @_prescale_tc(%arg0: i32, %arg1: memref<1x1024x128xf32, #tpu.memory_space<vmem>>, %arg2: memref<1x1024x128xf32, #tpu.memory_space<vmem>>, %arg3: memref<1024x128xf32, #tpu.memory_space<vmem>>, %arg4: memref<1024x128xf32, #tpu.memory_space<vmem>>, %arg5: memref<1024x128xf32, #tpu.memory_space<vmem>>) attributes {dimension_semantics = [#tpu.dimension_semantics<arbitrary>], iteration_bounds = array<i64: 10>, scalar_prefetch = 0 : i64, scratch_operands = 0 : i64, tpu.core_type = #tpu.core_type<tc>, window_params = [{transform_indices = @transform_0, window_bounds = array<i64: 1, 1024, 128>}, {transform_indices = @transform_1, window_bounds = array<i64: 1, 1024, 128>}, {transform_indices = @transform_2, window_bounds = array<i64: 1024, 128>}, {transform_indices = @transform_3, window_bounds = array<i64: 1024, 128>}, {transform_indices = @transform_4, window_bounds = array<i64: 1024, 128>}]} {
    %get3A = arith.constant 0 : index
    %get3A_0 = arith.constant 0 : index
    %get3A_1 = arith.constant 0 : index
    %get3A_2 = vector.load %arg1[%get3A, %get3A_0, %get3A_1] : memref<1x1024x128xf32, #tpu.memory_space<vmem>>, vector<1x1024x128xf32>
    %get3A_3 = vector.shape_cast %get3A_2 : vector<1x1024x128xf32> to vector<1024x128xf32>
    %get3A_4 = arith.constant 0 : index
    %get3A_5 = arith.constant 0 : index
    %get3A_6 = arith.constant 0 : index
    %get3A_7 = vector.load %arg2[%get3A_4, %get3A_5, %get3A_6] : memref<1x1024x128xf32, #tpu.memory_space<vmem>>, vector<1x1024x128xf32>
    %get3A_8 = vector.shape_cast %get3A_7 : vector<1x1024x128xf32> to vector<1024x128xf32>
    %add3A = arith.addf %get3A_3, %get3A_8 : vector<1024x128xf32>
    %add3A_9 = arith.constant 1.000000e+00 : f32
    %add3A_10 = vector.broadcast %add3A_9 : f32 to vector<1024x128xf32>
    %add3A_11 = arith.addf %add3A, %add3A_10 : vector<1024x128xf32>
    %rsqrt3A = math.rsqrt %add3A_11 : vector<1024x128xf32>
    %swap3A = arith.constant 0 : index
    %swap3A_12 = arith.constant 0 : index
    %swap3A_13 = vector.load %arg5[%swap3A, %swap3A_12] : memref<1024x128xf32, #tpu.memory_space<vmem>>, vector<1024x128xf32>
    tpu.vector_store %arg5[%swap3A, %swap3A_12], %rsqrt3A {strides = array<i32>} : memref<1024x128xf32, #tpu.memory_space<vmem>>, vector<1024x128xf32>,
    %get3A_14 = arith.constant 0 : index
    %get3A_15 = arith.constant 0 : index
    %get3A_16 = vector.load %arg3[%get3A_14, %get3A_15] : memref<1024x128xf32, #tpu.memory_space<vmem>>, vector<1024x128xf32>
    %mul3A = arith.mulf %rsqrt3A, %get3A_16 : vector<1024x128xf32>
    %swap3A_17 = arith.constant 0 : index
    %swap3A_18 = arith.constant 0 : index
    %swap3A_19 = vector.load %arg4[%swap3A_17, %swap3A_18] : memref<1024x128xf32, #tpu.memory_space<vmem>>, vector<1024x128xf32>
    tpu.vector_store %arg4[%swap3A_17, %swap3A_18], %mul3A {strides = array<i32>} : memref<1024x128xf32, #tpu.memory_space<vmem>>, vector<1024x128xf32>,
    return
  }
  func.func @transform_0(%arg0: i32) -> (i32, i32, i32) {
    %c0_i32 = arith.constant 0 : i32
    %c0_i32_0 = arith.constant 0 : i32
    %c0_i32_1 = arith.constant 0 : i32
    return %c0_i32, %arg0, %c0_i32_0 : i32, i32, i32
  }
  func.func @transform_1(%arg0: i32) -> (i32, i32, i32) {
    %c1_i32 = arith.constant 1 : i32
    %c0_i32 = arith.constant 0 : i32
    %c0_i32_0 = arith.constant 0 : i32
    return %c1_i32, %arg0, %c0_i32 : i32, i32, i32
  }
  func.func @transform_2(%arg0: i32) -> (i32, i32) {
    %c0_i32 = arith.constant 0 : i32
    %c0_i32_0 = arith.constant 0 : i32
    return %arg0, %c0_i32 : i32, i32
  }
  func.func @transform_3(%arg0: i32) -> (i32, i32) {
    %c0_i32 = arith.constant 0 : i32
    %c0_i32_0 = arith.constant 0 : i32
    return %arg0, %c0_i32 : i32, i32
  }
  func.func @transform_4(%arg0: i32) -> (i32, i32) {
    %c0_i32 = arith.constant 0 : i32
    %c0_i32_0 = arith.constant 0 : i32
    return %arg0, %c0_i32 : i32, i32
  }
}

module attributes {stable_mosaic.version = 14 : i64} {
  func.func @_combine_tc(%arg0: i32, %arg1: memref<1x1024x128xf32, #tpu.memory_space<vmem>>, %arg2: memref<1x1024x128xf32, #tpu.memory_space<vmem>>, %arg3: memref<1024x128xf32, #tpu.memory_space<vmem>>, %arg4: memref<1024x128xf32, #tpu.memory_space<vmem>>, %arg5: memref<1x128xf32, #tpu.memory_space<vmem>>, %arg6: memref<1024x128xf32, #tpu.memory_space<vmem>>) attributes {dimension_semantics = [#tpu.dimension_semantics<arbitrary>], iteration_bounds = array<i64: 10>, scalar_prefetch = 0 : i64, scratch_operands = 0 : i64, tpu.core_type = #tpu.core_type<tc>, window_params = [{transform_indices = @transform_0, window_bounds = array<i64: 1, 1024, 128>}, {transform_indices = @transform_1, window_bounds = array<i64: 1, 1024, 128>}, {transform_indices = @transform_2, window_bounds = array<i64: 1024, 128>}, {transform_indices = @transform_3, window_bounds = array<i64: 1024, 128>}, {pipeline_mode = #tpu.pipeline_mode<synchronous>, transform_indices = @transform_4, window_bounds = array<i64: 1, 128>}, {transform_indices = @transform_5, window_bounds = array<i64: 1024, 128>}]} {
    %get3A = arith.constant 0 : index
    %get3A_0 = arith.constant 0 : index
    %get3A_1 = vector.load %arg4[%get3A, %get3A_0] : memref<1024x128xf32, #tpu.memory_space<vmem>>, vector<1024x128xf32>
    %get3A_2 = arith.constant 0 : index
    %get3A_3 = arith.constant 0 : index
    %get3A_4 = arith.constant 0 : index
    %get3A_5 = vector.load %arg1[%get3A_2, %get3A_3, %get3A_4] : memref<1x1024x128xf32, #tpu.memory_space<vmem>>, vector<1x1024x128xf32>
    %get3A_6 = vector.shape_cast %get3A_5 : vector<1x1024x128xf32> to vector<1024x128xf32>
    %get3A_7 = arith.constant 0 : index
    %get3A_8 = arith.constant 0 : index
    %get3A_9 = arith.constant 0 : index
    %get3A_10 = vector.load %arg2[%get3A_7, %get3A_8, %get3A_9] : memref<1x1024x128xf32, #tpu.memory_space<vmem>>, vector<1x1024x128xf32>
    %get3A_11 = vector.shape_cast %get3A_10 : vector<1x1024x128xf32> to vector<1024x128xf32>
    %add3A = arith.addf %get3A_6, %get3A_11 : vector<1024x128xf32>
    %get3A_12 = arith.constant 0 : index
    %get3A_13 = arith.constant 0 : index
    %get3A_14 = vector.load %arg3[%get3A_12, %get3A_13] : memref<1024x128xf32, #tpu.memory_space<vmem>>, vector<1024x128xf32>
    %add3A_15 = arith.addf %add3A, %get3A_14 : vector<1024x128xf32>
    %mul3A = arith.mulf %get3A_1, %add3A_15 : vector<1024x128xf32>
    %get3A_16 = arith.constant 0 : index
    %get3A_17 = arith.constant 0 : index
    %get3A_18 = vector.load %arg5[%get3A_16, %get3A_17] : memref<1x128xf32, #tpu.memory_space<vmem>>, vector<1x128xf32>
    %add3A_19 = vector.broadcast %get3A_18 : vector<1x128xf32> to vector<1024x128xf32>
    %add3A_20 = arith.addf %mul3A, %add3A_19 : vector<1024x128xf32>
    %swap3A = arith.constant 0 : index
    %swap3A_21 = arith.constant 0 : index
    %swap3A_22 = vector.load %arg6[%swap3A, %swap3A_21] : memref<1024x128xf32, #tpu.memory_space<vmem>>, vector<1024x128xf32>
    tpu.vector_store %arg6[%swap3A, %swap3A_21], %add3A_20 {strides = array<i32>} : memref<1024x128xf32, #tpu.memory_space<vmem>>, vector<1024x128xf32>,
    return
  }
  func.func @transform_0(%arg0: i32) -> (i32, i32, i32) {
    %c0_i32 = arith.constant 0 : i32
    %c0_i32_0 = arith.constant 0 : i32
    %c0_i32_1 = arith.constant 0 : i32
    return %c0_i32, %arg0, %c0_i32_0 : i32, i32, i32
  }
  func.func @transform_1(%arg0: i32) -> (i32, i32, i32) {
    %c1_i32 = arith.constant 1 : i32
    %c0_i32 = arith.constant 0 : i32
    %c0_i32_0 = arith.constant 0 : i32
    return %c1_i32, %arg0, %c0_i32 : i32, i32, i32
  }
  func.func @transform_2(%arg0: i32) -> (i32, i32) {
    %c0_i32 = arith.constant 0 : i32
    %c0_i32_0 = arith.constant 0 : i32
    return %arg0, %c0_i32 : i32, i32
  }
  func.func @transform_3(%arg0: i32) -> (i32, i32) {
    %c0_i32 = arith.constant 0 : i32
    %c0_i32_0 = arith.constant 0 : i32
    return %arg0, %c0_i32 : i32, i32
  }
  func.func @transform_4(%arg0: i32) -> (i32, i32) {
    %c0_i32 = arith.constant 0 : i32
    %c0_i32_0 = arith.constant 0 : i32
    %c0_i32_1 = arith.constant 0 : i32
    return %c0_i32, %c0_i32_0 : i32, i32
  }
  func.func @transform_5(%arg0: i32) -> (i32, i32) {
    %c0_i32 = arith.constant 0 : i32
    %c0_i32_0 = arith.constant 0 : i32
    return %arg0, %c0_i32 : i32, i32
  }
}

</mosaic_0001>

<sc_bundles>
// kernel: kernel.6.cloned.1.call-start
scs
__scs_entry_jumppad:
0x0: {  	(pc) =	sbr.rel $0x88, $3  }
0x1: {  	(tag) =	ssettag $0x0;
	lr =	simm.s32 $0x1  }
0x2: {  	[smem:$0x3F9E] =	sst lr;
	_ =	strace $0xD0000000  }
0x3: {  	_ = 	snop  }
0x4: {  	_ = 	snop  }
0x5: {  	_ = 	snop  }
0x6: {  	_ = 	snop  }
0x7: {  	_ = 	snop  }
__scs_overlays_trampoline_lowered:
0x8: {  	[smem:$0x3FAD] =	sst s0  }
0x9: {  	[smem:$0x3FAE] =	sst s1  }
0xa: {  	[smem:$0x3FAF] =	sst s2  }
0xb: {  	[smem:$0x3FB0] =	sst s3  }
0xc: {  	[smem:$0x3FB1] =	sst s4  }
0xd: {  	[smem:$0x3FB2] =	sst s5  }
0xe: {  	[smem:$0x3FB3] =	sst s6  }
0xf: {  	[smem:$0x3FB4] =	sst s7  }
0x10: {  	[smem:$0x3FB5] =	sst s8  }
0x11: {  	[smem:$0x3FB6] =	sst s9;
	s0 =	simm.s32 @!p0 $0x0  }
0x12: {  	s1 =	sld [smem:$0x3F9C];
	s0 =	simm.s32 @p0 $0x1  }
0x13: {  	[smem:$0x3FB7] =	sst s0;
	s0 =	simm.s32 @!p1 $0x0  }
0x14: {  	s2 =	sld [smem:$0x3F9B];
	s0 =	simm.s32 @p1 $0x1  }
0x15: {  	[smem:$0x3FB8] =	sst s0;
	s0 =	simm.s32 @!p2 $0x0  }
0x16: {  	s3 =	sld [smem:$0x3FDB];
	s0 =	simm.s32 @p2 $0x1  }
0x17: {  	s4 =	simm.s32 $0x1BF5;
	[smem:$0x3FBA] =	sst s0  }
0x18: {  	s0 =	sld [smem:$0x3F9D];
	_ =	swait.ge [sflag:s4], $0x0  }
0x19: {  	s7 =	sld [smem:$0x3F9E]  }
0x1a: {  	s8 =	sadd.s32 $0xFFFFE003, lr  }
0x1b: {  	s9 =	sadd.s32 $0xFFFFFEF7, lr;
	s5 =	simm.s32 $0xFFFFFFFF;
	p2 =	slt.u32 s8, $0xFFFFF086  }
0x1c: {  	p1 =	slt.u32 s9, $0xF7A;
	s5 =	simm.s32 @!p2 $0x0  }
0x1d: {  	s5 =	simm.s32 @p1 $0x1;
	p0 =	seq.s32 s7, s2  }
0x1e: {  	s7 =	smul.u32 @!p0 $0xF7A, s2;
	p2 =	seq.s32 @!p0 s5, $0x0  }
0x1f: {  	s9 =	smul.u32 $0xF7A, s1;
	s8 =	simm.s32 @!p0 $0x1BF5;
	p2 =	por !p2, p0  }
0x20: {  	[sflag:s8] =	ssyncset.s32 @!p0 $0xFFFFF086;
	s6 =	sadd.s32 @!p0 s3, s7;
	s7 =	simm.s32 @!p0 $0x108  }
0x21: {  	s3 =	sadd.s32 s3, s9;
	s6 =	sadd.s32 @!p0 $0x88, s6;
	s7 =	simm.s32 @p2 $0x1082  }
0x22: {  	[simem:s7], [sflag:s8] =	dma.local @!p0 [hbm:s6], $0xF7A  }
0x23: {  	s9 =	sor.u32 $0xD0000000, s2;
	s6 =	simm.s32 $0x108;
	_ =	swait.ge @!p0 [sflag:s8], $0x0  }
0x24: {  	s3 =	sadd.s32 $0x88, s3;
	s6 =	simm.s32 @!p1 $0x1082;
	[sflag:s4] =	ssyncset.s32 $0xFFFFF086  }
0x25: {  	[simem:s6], [sflag:s4] =	dma.local [hbm:s3], $0xF7A  }
0x26: {  	[smem:$0x3F9E] =	sst s1;
	(tag) =	ssettag s2;
	_ =	strace s9  }
0x27: {  	s1 =	sld [smem:$0x3FAE]  }
0x28: {  	s2 =	sld [smem:$0x3FAF]  }
0x29: {  	s4 =	sld [smem:$0x3FB1]  }
0x2a: {  	p0 =	seq.s32 s5, $0x0;
	s5 =	sld [smem:$0x3FB2]  }
0x2b: {  	s6 =	sld [smem:$0x3FB3]  }
0x2c: {  	s7 =	sld [smem:$0x3FB4]  }
0x2d: {  	s3 =	simm.s32 $0x108;
	s8 =	sld [smem:$0x3FB5]  }
0x2e: {  	s3 =	simm.s32 @!p0 $0x1082;
	s9 =	sld [smem:$0x3FB6]  }
0x2f: {  	lr =	sadd.s32 s0, s3;
	s0 =	sld [smem:$0x3FAD]  }
0x30: {  	s3 =	sld [smem:$0x3FB0]  }
0x31: {  	[smem:$0x3FB9] =	sst s10  }
0x32: {  	s10 =	sld [smem:$0x3FB7];
	_ =	sdelay $0x3  }
0x33: {  	p0 =	seq.s32 s10, $0x1;
	s10 =	sld [smem:$0x3FB9];
	_ =	sdelay $0x3  }
0x34: {  	[smem:$0x3FB9] =	sst s10  }
0x35: {  	s10 =	sld [smem:$0x3FB8];
	_ =	sdelay $0x3  }
0x36: {  	p1 =	seq.s32 s10, $0x1;
	s10 =	sld [smem:$0x3FB9];
	_ =	sdelay $0x3  }
0x37: {  	[smem:$0x3FB9] =	sst s10  }
0x38: {  	s10 =	sld [smem:$0x3FBA]  }
0x39: {  	_ = 	snop;
	(pc) =	sbr.ind lr, $3  }
0x3a: {  	_ = 	snop  }
0x3b: {  	_ = 	snop  }
0x3c: {  	p2 =	seq.s32 s10, $0x1;
	s10 =	sld [smem:$0x3FB9]  }
0x3d: {  	_ =	shalt  }
0x3e: {  	_ =	shalt  }
0x3f: {  	_ =	shalt  }
0x40: {  	_ =	shalt  }
0x41: {  	_ =	shalt  }
0x42: {  	_ =	shalt  }
0x43: {  	_ =	shalt  }
0x44: {  	_ =	shalt  }
0x45: {  	_ =	shalt  }
0x46: {  	_ =	shalt  }
0x47: {  	_ =	shalt  }
0x48: {  	_ =	shalt  }
0x49: {  	_ =	shalt  }
0x4a: {  	_ =	shalt  }
0x4b: {  	_ =	shalt  }
0x4c: {  	_ =	shalt  }
0x4d: {  	_ =	shalt  }
0x4e: {  	_ =	shalt  }
0x4f: {  	_ =	shalt  }
0x50: {  	_ =	shalt  }
0x51: {  	_ =	shalt  }
0x52: {  	_ =	shalt  }
0x53: {  	_ =	shalt  }
0x54: {  	_ =	shalt  }
0x55: {  	_ =	shalt  }
0x56: {  	_ =	shalt  }
0x57: {  	_ =	shalt  }
0x58: {  	_ =	shalt  }
0x59: {  	_ =	shalt  }
0x5a: {  	_ =	shalt  }
0x5b: {  	_ =	shalt  }
0x5c: {  	_ =	shalt  }
0x5d: {  	_ =	shalt  }
0x5e: {  	_ =	shalt  }
0x5f: {  	_ =	shalt  }
0x60: {  	_ =	shalt  }
0x61: {  	_ =	shalt  }
0x62: {  	_ =	shalt  }
0x63: {  	_ =	shalt  }
0x64: {  	_ =	shalt  }
0x65: {  	_ =	shalt  }
0x66: {  	_ =	shalt  }
0x67: {  	_ =	shalt  }
0x68: {  	_ =	shalt  }
0x69: {  	_ =	shalt  }
0x6a: {  	_ =	shalt  }
0x6b: {  	_ =	shalt  }
0x6c: {  	_ =	shalt  }
0x6d: {  	_ =	shalt  }
0x6e: {  	_ =	shalt  }
0x6f: {  	_ =	shalt  }
0x70: {  	_ =	shalt  }
0x71: {  	_ =	shalt  }
0x72: {  	_ =	shalt  }
0x73: {  	_ =	shalt  }
0x74: {  	_ =	shalt  }
0x75: {  	_ =	shalt  }
0x76: {  	_ =	shalt  }
0x77: {  	_ =	shalt  }
0x78: {  	_ =	shalt  }
0x79: {  	_ =	shalt  }
0x7a: {  	_ =	shalt  }
0x7b: {  	_ =	shalt  }
0x7c: {  	_ =	shalt  }
0x7d: {  	_ =	shalt  }
0x7e: {  	_ =	shalt  }
0x7f: {  	_ =	shalt  }
0x80: {  	_ =	shalt  }
0x81: {  	_ =	shalt  }
0x82: {  	_ =	shalt  }
0x83: {  	_ =	shalt  }
0x84: {  	_ =	shalt  }
0x85: {  	_ =	shalt  }
0x86: {  	_ =	shalt  }
0x87: {  	_ =	shalt  }
.Lfunc_end0:
.L_simem_size_0:
called_computation_lowered:
.L_overlay_start_0:
0x88: {  	s2 =	sld [smem:$0x3FD9]  }
0x89: {  	s3 =	sld [smem:$0x3FFE];
	_ =	sdelay $0x1  }
0x8a: {  	s1 =	srdreg.scid  }
0x8b: {  	s0 =	sand.u32 $0x1, s1  }
0x8c: {  	s14 =	sshll.u32 s0, $0xA;
	s2 =	sadd.s32 s3, s2  }
0x8d: {  	s2 =	sadd.s32 s2, s14  }
0x8e: {  	[smem:$0x3FC5] =	sst s2  }
0x8f: {  	_ = 	snop  }
0x90: {  	s2 =	sld [smem:$0x3FD0];
	_ =	sdelay $0x2  }
0x91: {  	s15 =	simm.s32 $0xA;
	s4 =	simm.s32 $0x10  }
0x92: {  	[smem:s4], [sflag:s15] =	dma.local [hbm:s2], $0x1  }
0x93: {  	_ =	swait.eq [sflag:s15], $0x1  }
0x94: {  	[sflag:s15] =	ssyncset.done $0x0  }
0x95: {  	[sflag:s15] =	ssyncadd.s32 $0xFFFFFFFF  }
0x96: {  	s16 =	sld [smem:$0x11];
	(tm) =	ssettm $0x1  }
0x97: {  	s17 =	sld [smem:$0x3FFB];
	_ =	sdelay $0x3  }
0x98: {  	_ =	strace s17  }
0x99: {  	s3 =	sld [smem:$0x3FFC];
	_ =	sdelay $0x3  }
0x9a: {  	_ =	strace s3  }
0x9b: {  	s3 =	sld [smem:$0x3FFD];
	_ =	sdelay $0x3  }
0x9c: {  	_ =	strace s3  }
0x9d: {  	_ =	strace $0x8FFFFFFF  }
0x9e: {  	s18 =	sld [smem:$0x3FDB];
	_ =	sdelay $0x1  }
0x9f: {  	s19 =	simm.s32 $_scs_section_size  }
0xa0: {  	s5 =	simm.s32 $_size__tile_overlayer_lowered;
	s6 =	simm.s32 $_tile_overlayer_lowered  }
0xa1: {  	s22 =	simm.s32 $0x1BFF;
	s21 =	sshll.u32 s6, $0x1;
	s3 =	sadd.s32 s19, s18  }
0xa2: {  	s7 =	simm.s32 $0x0;
	s20 =	sshll.u32 s5, $0x1;
	s5 =	sadd.s32 s21, s3  }
0xa3: {  	[timem:s7], [sflag:s22] =	dma.local [hbm:s5], s20  }
0xa4: {  	_ =	swait.ge [sflag:s22], s20  }
0xa5: {  	s4 =	ssub.s32 $0x0, s20;
	[sflag:s22] =	ssyncset.done $0x0  }
0xa6: {  	[sflag:s22] =	ssyncadd.s32 s4;
	_ =	sdelay $0x1  }
0xa7: {  	s23 =	simm.s32 $0x1B8B  }
0xa8: {  	_ =	swait.ge [sflag:s23], $0x1  }
0xa9: {  	[sflag:s23] =	ssyncset.done $0x0  }
0xaa: {  	s25 =	simm.s32 $0x1B8E;
	s24 =	sld [smem:$0x3FFE];
	[sflag:s23] =	ssyncadd.s32 $0xFFFFFFFF  }
0xab: {  	s26 =	simm.s32 $execute0_lowered;
	[smem:$0x3FD2] =	sst s25  }
0xac: {  	s5 =	sshll.u32 s26, $0x1;
	_ =	strace $0x80000046;
	[dreg:$0x1] =	wrdreg $0xFFFFFFFF  }
0xad: {  	s28 =	simm.s32 $_size_execute0_lowered;
	s3 =	sadd.s32 s3, s5;
	[dreg:$0x0] =	wrdreg $0x0  }
0xae: {  	s5 =	sshll.u32 s28, $0x1;
	[dreg:$0x2] =	wrdreg s3  }
0xaf: {  	[dreg:$0x3] =	wrdreg s5  }
0xb0: {  	[dreg:$0x4] =	wrdreg $0xC0  }
0xb1: {  	_ =	task [dreg:s7], $0x5FFFF  }
0xb2: {  	[dreg:$0x1] =	wrdreg $0xFFFFFFFF  }
0xb3: {  	[dreg:$0x0] =	wrdreg $0x60  }
0xb4: {  	[dreg:$0x2] =	wrdreg s16  }
0xb5: {  	[dreg:$0x3] =	wrdreg s24  }
0xb6: {  	[dreg:$0x4] =	wrdreg $0x0  }
0xb7: {  	[dreg:$0x5] =	wrdreg $0x9  }
0xb8: {  	_ =	task.clear_ibuf [dreg:s7], $0x6FFFF;
	_ =	strace $0x90000046  }
0xb9: {  	s29 =	simm.s32 $0x9;
	_ =	strace $0x80000048  }
0xba: {  	_ =	swait.ge [sflag:s29], $0x1  }
0xbb: {  	[sflag:s29] =	ssyncadd.s32 $0xFFFFFFFF  }
0xbc: {  	_ =	strace $0x90000048  }
0xbd: {  	_ =	sfence  }
0xbe: {  	s30 =	sld [smem:$0x0];
	_ =	sdelay $0x2  }
0xbf: {  	s31 =	sshll.u32 s1, $0xD;
	s1 =	sshrl.u32 s1, $0x2  }
0xc0: {  	s3 =	sand.u32 $0x4000, s31;
	s1 =	sadd.s32 s1, s30  }
0xc1: {  	s0 =	sor.u32 s3, s0;
	s1 =	sshll.u32 s1, $0x11  }
0xc2: {  	s0 =	sor.u32 s1, s0  }
0xc3: {  	s0 =	sadd.s32 $0x8F2B, s0  }
0xc4: {  	[sflag:s0] =	ssyncadd.remote.s32 $0x1  }
0xc5: {  	_ =	sfence.sel $0xFFFF  }
0xc6: {  	[dreg:$0x0] =	wrdreg $0xFFFFFFFF;
	(pc) =	sbr.abs _section_cstart, $3  }
0xc7: {  	[dreg:$0x1] =	wrdreg $0xFFFFFFFF  }
0xc8: {  	_ =	task.clear_ibuf [dreg:s7], $0x2FFFF;
	_ =	strace $0x9FFFFFFF  }
0xc9: {  	(tm) =	ssettm $0x7FFFFFFF  }
tec
execute0_lowered:
.L_overlay_start_1:
0x0: {  	(tag) =	ssettag $0x1  }
0x1: {  	s0 =	rddreg [dreg:$0x0]  }
0x2: {  	s1 =	rddreg [dreg:$0x1];
	s9 =	stileid.u32  }
0x3: {  	s3 =	srdreg.scid;
	s6 =	smul.u32 $0x14000, s9  }
0x4: {  	s2 =	rddreg [dreg:$0x2];
	s4 =	sand.u32 $0x1, s3;
	s8 =	smul.u32 $0x50000, s9  }
0x5: {  	s3 =	simm.s32 $0x0;
	s5 =	smul.u32 $0x140000, s4;
	s7 =	ssub.s32 $0x2, s4  }
0x6: {  	[smem:$0x7FF] =	sst s3;
	s23 =	sshrl.u32 s7, $0x1;
	s24 =	sshrl.u32 s8, $0x2  }
0x7: {  	s5 =	sadd.s32 s6, s5;
	s6 =	ssub.s32 s7, s23;
	s7 =	sadd.s32 s24, s2  }
0x8: {  	_ =	strace $0x80000047;
	s25 =	smax.u32 s6, $0x1;
	[dreg:$0x4] =	wrdreg s7  }
0x9: {  	s26 =	sadd.s32 $0x1000, s7;
	[dreg:$0x5] =	wrdreg s25  }
0xa: {  	s6 =	sadd.s32 $0x2000, s7;
	[dreg:$0x6] =	wrdreg s26  }
0xb: {  	s8 =	sadd.s32 $0x3000, s7;
	[dreg:$0x7] =	wrdreg s6  }
0xc: {  	s10 =	sadd.s32 $0x4000, s7;
	[dreg:$0x8] =	wrdreg s8  }
0xd: {  	s11 =	sadd.s32 $0x5000, s7;
	[dreg:$0x9] =	wrdreg s10  }
0xe: {  	s12 =	sadd.s32 $0x6000, s7;
	[dreg:$0xa] =	wrdreg s11  }
0xf: {  	s28 =	simm.s32 $0x18C00;
	s13 =	sadd.s32 $0x7000, s7;
	[dreg:$0xb] =	wrdreg s12  }
0x10: {  	s29 =	simm.s32 $0x2;
	s14 =	sadd.s32 $0x8000, s7;
	[dreg:$0xc] =	wrdreg s13  }
0x11: {  	s30 =	simm.s32 $0x14000;
	s16 =	sadd.s32 $0x9000, s7;
	[dreg:$0xd] =	wrdreg s14  }
0x12: {  	s31 =	simm.s32 $0x80;
	s17 =	sadd.s32 $0xA000, s7;
	[dreg:$0xe] =	wrdreg s16  }
0x13: {  	s15 =	smul.u32 $0x6000, s9;
	s18 =	sadd.s32 $0xB000, s7;
	[dreg:$0xf] =	wrdreg s17  }
0x14: {  	s4 =	smul.u32 $0x3000, s4;
	s19 =	sadd.s32 $0xC000, s7;
	[dreg:$0x10] =	wrdreg s18  }
0x15: {  	s9 =	simm.s32 $0x14280;
	s20 =	sadd.s32 $0xD000, s7;
	[dreg:$0x11] =	wrdreg s19  }
0x16: {  	s4 =	sadd.s32 s4, s15;
	s21 =	sadd.s32 $0xE000, s7;
	[dreg:$0x12] =	wrdreg s20  }
0x17: {  	s15 =	simm.s32 $0x14580;
	s22 =	sadd.s32 $0xF000, s7;
	[dreg:$0x13] =	wrdreg s21  }
0x18: {  	s5 =	sshrl.u32 s5, $0x3;
	s23 =	sadd.s32 $0x10000, s7;
	[dreg:$0x14] =	wrdreg s22  }
0x19: {  	s24 =	sadd.s32 $0x11000, s7;
	s4 =	sshrl.u32 s4, $0x3;
	[dreg:$0x15] =	wrdreg s23  }
0x1a: {  	s1 =	sadd.s32 s5, s1;
	[dreg:$0x16] =	wrdreg s24;
	s23 =	sadd.s32 s4, s0  }
0x1b: {  	s25 =	sadd.s32 $0x12000, s7;
	s26 =	sadd.s32 $0x13000, s7;
	s0 =	simm.s32 $0x14C00  }
0x1c: {  	s5 =	simm.s32 $0x14080;
	s24 =	simm.s32 $0x1;
	s4 =	simm.s32 $0x0  }
0x1d: {  	s6 =	simm.s32 $0x14100;
	s7 =	simm.s32 $0x14180;
	s8 =	simm.s32 $0x14200  }
0x1e: {  	s10 =	simm.s32 $0x14300;
	s11 =	simm.s32 $0x14380;
	s12 =	simm.s32 $0x14400  }
0x1f: {  	s13 =	simm.s32 $0x14480;
	s14 =	simm.s32 $0x14500;
	s16 =	simm.s32 $0x14600  }
0x20: {  	s17 =	simm.s32 $0x14680;
	s18 =	simm.s32 $0x14700;
	s19 =	simm.s32 $0x14780  }
0x21: {  	s20 =	simm.s32 $0x14800;
	s21 =	simm.s32 $0x14880;
	[dreg:$0x17] =	wrdreg s25  }
0x22: {  	v0 =	vimm.f32 $1.000000000e+00;
	v1 =	vimm.f32 $0.0e+00;
	s22 =	simm.s32 $0x14900;
	s25 =	sadd.s32 $0x1600, s1;
	[dreg:$0x18] =	wrdreg s26  }
.LBB2_1:
0x23: {  	[dreg:$0x19] =	wrdreg s4;
	s4 =	simm.s32 $0x0;
	s26 =	simm.s32 $0x200  }
.LBB2_2:
0x24: {  	p0 =	sne.s32 s26, $0xFE00;
	[tilespmem:s4+$0x14C70] =	vst v0  }
0x25: {  	[tilespmem:s4+$0x14C00] =	vst v0  }
0x26: {  	[tilespmem:s4+$0x14C10] =	vst v0  }
.Ltmp0:
0x27: {  	[tilespmem:s4+$0x14C20] =	vst v0;
	(pc) =	sbr.rel @p0 .LBB2_2-.Ltmp0, $4  }
0x28: {  	[tilespmem:s4+$0x14C30] =	vst v0  }
0x29: {  	[tilespmem:s4+$0x14C40] =	vst v0  }
0x2a: {  	[tilespmem:s4+$0x14C50] =	vst v0  }
0x2b: {  	[tilespmem:s4+$0x14C60] =	vst v0;
	s4 =	sshra.s32 s26, $0x2;
	s26 =	sadd.s32 $0x200, s26  }
0x2c: {  	[tilespmem:s4+$0x14C70] =	vst v0  }
0x2d: {  	[tilespmem:s4+$0x14C00] =	vst v0  }
0x2e: {  	[tilespmem:s4+$0x14C10] =	vst v0  }
0x2f: {  	[tilespmem:s4+$0x14C20] =	vst v0  }
0x30: {  	[tilespmem:s4+$0x14C30] =	vst v0  }
0x31: {  	[tilespmem:s4+$0x14C40] =	vst v0  }
0x32: {  	[tilespmem:s4+$0x14C50] =	vst v0  }
0x33: {  	[tilespmem:s4+$0x14C60] =	vst v0;
	s4 =	simm.s32 $0x0;
	s26 =	simm.s32 $0x200  }
.LBB2_4:
0x34: {  	p0 =	sne.s32 s26, $0x3E00;
	[tilespmem:s4+$0x18C70] =	vst v1  }
0x35: {  	[tilespmem:s4+$0x18C00] =	vst v1  }
0x36: {  	[tilespmem:s4+$0x18C10] =	vst v1  }
.Ltmp1:
0x37: {  	[tilespmem:s4+$0x18C20] =	vst v1;
	(pc) =	sbr.rel @p0 .LBB2_4-.Ltmp1, $4  }
0x38: {  	[tilespmem:s4+$0x18C30] =	vst v1  }
0x39: {  	[tilespmem:s4+$0x18C40] =	vst v1  }
0x3a: {  	[tilespmem:s4+$0x18C50] =	vst v1  }
0x3b: {  	[tilespmem:s4+$0x18C60] =	vst v1;
	s4 =	sshra.s32 s26, $0x2;
	s26 =	sadd.s32 $0x200, s26  }
0x3c: {  	[tilespmem:s4+$0x18C70] =	vst v1  }
0x3d: {  	[tilespmem:s4+$0x18C00] =	vst v1  }
0x3e: {  	[tilespmem:s4+$0x18C10] =	vst v1  }
0x3f: {  	[tilespmem:s4+$0x18C20] =	vst v1  }
0x40: {  	[tilespmem:s4+$0x18C30] =	vst v1  }
0x41: {  	[tilespmem:s4+$0x18C40] =	vst v1  }
0x42: {  	[tilespmem:s4+$0x18C50] =	vst v1  }
0x43: {  	[tilespmem:s4+$0x18C60] =	vst v1;
	s1 =	rddreg [dreg:$0x4]  }
0x44: {  	[spmem:s1] =	stream.linear.scatter [tilespmem:s28], [sflag:$0x2], $0x1000, $0x38;
	[tilespmem:$0x19C00] =	vst v63  }
0x45: {  	_ =	swait.ge [sflag:s29], $0x1000  }
0x46: {  	[sflag:s29] =	ssyncset.done $0x0  }
0x47: {  	s26 =	rddreg [dreg:$0x6];
	[sflag:s29] =	ssyncadd.s32 $0xFFFFF000  }
0x48: {  	[spmem:s26] =	stream.linear.scatter [tilespmem:s28], [sflag:$0x2], $0x1000, $0x38;
	[tilespmem:$0x19C00] =	vst v63  }
0x49: {  	_ =	swait.ge [sflag:s29], $0x1000  }
0x4a: {  	[sflag:s29] =	ssyncset.done $0x0  }
0x4b: {  	s4 =	rddreg [dreg:$0x7];
	[sflag:s29] =	ssyncadd.s32 $0xFFFFF000  }
0x4c: {  	[spmem:s4] =	stream.linear.scatter [tilespmem:s28], [sflag:$0x2], $0x1000, $0x38;
	[tilespmem:$0x19C00] =	vst v63  }
0x4d: {  	_ =	swait.ge [sflag:s29], $0x1000  }
0x4e: {  	[sflag:s29] =	ssyncset.done $0x0  }
0x4f: {  	s26 =	rddreg [dreg:$0x8];
	[sflag:s29] =	ssyncadd.s32 $0xFFFFF000  }
0x50: {  	[spmem:s26] =	stream.linear.scatter [tilespmem:s28], [sflag:$0x2], $0x1000, $0x38;
	[tilespmem:$0x19C00] =	vst v63  }
0x51: {  	_ =	swait.ge [sflag:s29], $0x1000  }
0x52: {  	[sflag:s29] =	ssyncset.done $0x0  }
0x53: {  	s4 =	rddreg [dreg:$0x9];
	[sflag:s29] =	ssyncadd.s32 $0xFFFFF000  }
0x54: {  	[spmem:s4] =	stream.linear.scatter [tilespmem:s28], [sflag:$0x2], $0x1000, $0x38;
	[tilespmem:$0x19C00] =	vst v63  }
0x55: {  	_ =	swait.ge [sflag:s29], $0x1000  }
0x56: {  	[sflag:s29] =	ssyncset.done $0x0  }
0x57: {  	s26 =	rddreg [dreg:$0xa];
	[sflag:s29] =	ssyncadd.s32 $0xFFFFF000  }
0x58: {  	[spmem:s26] =	stream.linear.scatter [tilespmem:s28], [sflag:$0x2], $0x1000, $0x38;
	[tilespmem:$0x19C00] =	vst v63  }
0x59: {  	_ =	swait.ge [sflag:s29], $0x1000  }
0x5a: {  	[sflag:s29] =	ssyncset.done $0x0  }
0x5b: {  	s4 =	rddreg [dreg:$0xb];
	[sflag:s29] =	ssyncadd.s32 $0xFFFFF000  }
0x5c: {  	[spmem:s4] =	stream.linear.scatter [tilespmem:s28], [sflag:$0x2], $0x1000, $0x38;
	[tilespmem:$0x19C00] =	vst v63  }
0x5d: {  	_ =	swait.ge [sflag:s29], $0x1000  }
0x5e: {  	[sflag:s29] =	ssyncset.done $0x0  }
0x5f: {  	s26 =	rddreg [dreg:$0xc];
	[sflag:s29] =	ssyncadd.s32 $0xFFFFF000  }
0x60: {  	[spmem:s26] =	stream.linear.scatter [tilespmem:s28], [sflag:$0x2], $0x1000, $0x38;
	[tilespmem:$0x19C00] =	vst v63  }
0x61: {  	_ =	swait.ge [sflag:s29], $0x1000  }
0x62: {  	[sflag:s29] =	ssyncset.done $0x0  }
0x63: {  	s4 =	rddreg [dreg:$0xd];
	[sflag:s29] =	ssyncadd.s32 $0xFFFFF000  }
0x64: {  	[spmem:s4] =	stream.linear.scatter [tilespmem:s28], [sflag:$0x2], $0x1000, $0x38;
	[tilespmem:$0x19C00] =	vst v63  }
0x65: {  	_ =	swait.ge [sflag:s29], $0x1000  }
0x66: {  	[sflag:s29] =	ssyncset.done $0x0  }
0x67: {  	s26 =	rddreg [dreg:$0xe];
	[sflag:s29] =	ssyncadd.s32 $0xFFFFF000  }
0x68: {  	[spmem:s26] =	stream.linear.scatter [tilespmem:s28], [sflag:$0x2], $0x1000, $0x38;
	[tilespmem:$0x19C00] =	vst v63  }
0x69: {  	_ =	swait.ge [sflag:s29], $0x1000  }
0x6a: {  	[sflag:s29] =	ssyncset.done $0x0  }
0x6b: {  	s4 =	rddreg [dreg:$0xf];
	[sflag:s29] =	ssyncadd.s32 $0xFFFFF000  }
0x6c: {  	[spmem:s4] =	stream.linear.scatter [tilespmem:s28], [sflag:$0x2], $0x1000, $0x38;
	[tilespmem:$0x19C00] =	vst v63  }
0x6d: {  	_ =	swait.ge [sflag:s29], $0x1000  }
0x6e: {  	[sflag:s29] =	ssyncset.done $0x0  }
0x6f: {  	s26 =	rddreg [dreg:$0x10];
	[sflag:s29] =	ssyncadd.s32 $0xFFFFF000  }
0x70: {  	[spmem:s26] =	stream.linear.scatter [tilespmem:s28], [sflag:$0x2], $0x1000, $0x38;
	[tilespmem:$0x19C00] =	vst v63  }
0x71: {  	_ =	swait.ge [sflag:s29], $0x1000  }
0x72: {  	[sflag:s29] =	ssyncset.done $0x0  }
0x73: {  	s4 =	rddreg [dreg:$0x11];
	[sflag:s29] =	ssyncadd.s32 $0xFFFFF000  }
0x74: {  	[spmem:s4] =	stream.linear.scatter [tilespmem:s28], [sflag:$0x2], $0x1000, $0x38;
	[tilespmem:$0x19C00] =	vst v63  }
0x75: {  	_ =	swait.ge [sflag:s29], $0x1000  }
0x76: {  	[sflag:s29] =	ssyncset.done $0x0  }
0x77: {  	s26 =	rddreg [dreg:$0x12];
	[sflag:s29] =	ssyncadd.s32 $0xFFFFF000  }
0x78: {  	[spmem:s26] =	stream.linear.scatter [tilespmem:s28], [sflag:$0x2], $0x1000, $0x38;
	[tilespmem:$0x19C00] =	vst v63  }
0x79: {  	_ =	swait.ge [sflag:s29], $0x1000  }
0x7a: {  	[sflag:s29] =	ssyncset.done $0x0  }
0x7b: {  	s4 =	rddreg [dreg:$0x13];
	[sflag:s29] =	ssyncadd.s32 $0xFFFFF000  }
0x7c: {  	[spmem:s4] =	stream.linear.scatter [tilespmem:s28], [sflag:$0x2], $0x1000, $0x38;
	[tilespmem:$0x19C00] =	vst v63  }
0x7d: {  	_ =	swait.ge [sflag:s29], $0x1000  }
0x7e: {  	[sflag:s29] =	ssyncset.done $0x0  }
0x7f: {  	s26 =	rddreg [dreg:$0x14];
	[sflag:s29] =	ssyncadd.s32 $0xFFFFF000  }
0x80: {  	[spmem:s26] =	stream.linear.scatter [tilespmem:s28], [sflag:$0x2], $0x1000, $0x38;
	[tilespmem:$0x19C00] =	vst v63  }
0x81: {  	_ =	swait.ge [sflag:s29], $0x1000  }
0x82: {  	[sflag:s29] =	ssyncset.done $0x0  }
0x83: {  	s4 =	rddreg [dreg:$0x15];
	[sflag:s29] =	ssyncadd.s32 $0xFFFFF000  }
0x84: {  	[spmem:s4] =	stream.linear.scatter [tilespmem:s28], [sflag:$0x2], $0x1000, $0x38;
	[tilespmem:$0x19C00] =	vst v63  }
0x85: {  	_ =	swait.ge [sflag:s29], $0x1000  }
0x86: {  	[sflag:s29] =	ssyncset.done $0x0  }
0x87: {  	s26 =	rddreg [dreg:$0x16];
	[sflag:s29] =	ssyncadd.s32 $0xFFFFF000  }
0x88: {  	[spmem:s26] =	stream.linear.scatter [tilespmem:s28], [sflag:$0x2], $0x1000, $0x38;
	[tilespmem:$0x19C00] =	vst v63  }
0x89: {  	_ =	swait.ge [sflag:s29], $0x1000  }
0x8a: {  	[sflag:s29] =	ssyncset.done $0x0  }
0x8b: {  	s4 =	rddreg [dreg:$0x17];
	[sflag:s29] =	ssyncadd.s32 $0xFFFFF000  }
0x8c: {  	[spmem:s4] =	stream.linear.scatter [tilespmem:s28], [sflag:$0x2], $0x1000, $0x38;
	[tilespmem:$0x19C00] =	vst v63  }
0x8d: {  	_ =	swait.ge [sflag:s29], $0x1000  }
0x8e: {  	[sflag:s29] =	ssyncset.done $0x0  }
0x8f: {  	s26 =	rddreg [dreg:$0x18];
	[sflag:s29] =	ssyncadd.s32 $0xFFFFF000  }
0x90: {  	[spmem:s26] =	stream.linear.scatter [tilespmem:s28], [sflag:$0x2], $0x1000, $0x38;
	[tilespmem:$0x19C00] =	vst v63  }
0x91: {  	_ =	swait.ge [sflag:s29], $0x1000  }
0x92: {  	[sflag:s29] =	ssyncset.done $0x0  }
0x93: {  	[sflag:s29] =	ssyncadd.s32 $0xFFFFF000  }
0x94: {  	s4 =	sadd.s32 $0x0, s23;
	[bflag:$0x0] =	sbarrier.arrive $0xFFFF  }
0x95: {  	[tilespmem:s30], [sflag:$0x2] =	stream.linear.gather [hbm4b:s4+s3], $0xA00, $0x38;
	[tilespmem:$0x19C00] =	vst v63  }
0x96: {  	_ =	swait.ge [sflag:s29], $0xA00  }
0x97: {  	[sflag:s29] =	ssyncset.done $0x0  }
0x98: {  	[sflag:s29] =	ssyncadd.s32 $0xFFFFF600  }
0x99: {  	[spmem:s2] =	stream.indirect.scatter.add.f32 [tilespmem:s0], [sflag:$0x1], $0x80, s30, s31, $0xb8;
	[tilespmem:$0x19C00] =	vst v63  }
0x9a: {  	_ = 	snop  }
0x9b: {  	[spmem:s2] =	stream.indirect.scatter.add.f32 [tilespmem:s0], [sflag:$0x1], $0x80, s5, s31, $0xb8;
	[tilespmem:$0x19C00] =	vst v63  }
0x9c: {  	_ = 	snop  }
0x9d: {  	[spmem:s2] =	stream.indirect.scatter.add.f32 [tilespmem:s0], [sflag:$0x1], $0x80, s6, s31, $0xb8;
	[tilespmem:$0x19C00] =	vst v63  }
0x9e: {  	_ = 	snop  }
0x9f: {  	[spmem:s2] =	stream.indirect.scatter.add.f32 [tilespmem:s0], [sflag:$0x1], $0x80, s7, s31, $0xb8;
	[tilespmem:$0x19C00] =	vst v63  }
0xa0: {  	_ = 	snop  }
0xa1: {  	[spmem:s2] =	stream.indirect.scatter.add.f32 [tilespmem:s0], [sflag:$0x1], $0x80, s8, s31, $0xb8;
	[tilespmem:$0x19C00] =	vst v63  }
0xa2: {  	_ = 	snop  }
0xa3: {  	[spmem:s2] =	stream.indirect.scatter.add.f32 [tilespmem:s0], [sflag:$0x1], $0x80, s9, s31, $0xb8;
	[tilespmem:$0x19C00] =	vst v63  }
0xa4: {  	_ = 	snop  }
0xa5: {  	[spmem:s2] =	stream.indirect.scatter.add.f32 [tilespmem:s0], [sflag:$0x1], $0x80, s10, s31, $0xb8;
	[tilespmem:$0x19C00] =	vst v63  }
0xa6: {  	_ = 	snop  }
0xa7: {  	[spmem:s2] =	stream.indirect.scatter.add.f32 [tilespmem:s0], [sflag:$0x1], $0x80, s11, s31, $0xb8;
	[tilespmem:$0x19C00] =	vst v63  }
0xa8: {  	_ = 	snop  }
0xa9: {  	[spmem:s2] =	stream.indirect.scatter.add.f32 [tilespmem:s0], [sflag:$0x1], $0x80, s12, s31, $0xb8;
	[tilespmem:$0x19C00] =	vst v63  }
0xaa: {  	_ = 	snop  }
0xab: {  	[spmem:s2] =	stream.indirect.scatter.add.f32 [tilespmem:s0], [sflag:$0x1], $0x80, s13, s31, $0xb8;
	[tilespmem:$0x19C00] =	vst v63  }
0xac: {  	_ = 	snop  }
0xad: {  	[spmem:s2] =	stream.indirect.scatter.add.f32 [tilespmem:s0], [sflag:$0x1], $0x80, s14, s31, $0xb8;
	[tilespmem:$0x19C00] =	vst v63  }
0xae: {  	_ = 	snop  }
0xaf: {  	[spmem:s2] =	stream.indirect.scatter.add.f32 [tilespmem:s0], [sflag:$0x1], $0x80, s15, s31, $0xb8;
	[tilespmem:$0x19C00] =	vst v63  }
0xb0: {  	_ = 	snop  }
0xb1: {  	[spmem:s2] =	stream.indirect.scatter.add.f32 [tilespmem:s0], [sflag:$0x1], $0x80, s16, s31, $0xb8;
	[tilespmem:$0x19C00] =	vst v63  }
0xb2: {  	_ = 	snop  }
0xb3: {  	[spmem:s2] =	stream.indirect.scatter.add.f32 [tilespmem:s0], [sflag:$0x1], $0x80, s17, s31, $0xb8;
	[tilespmem:$0x19C00] =	vst v63  }
0xb4: {  	_ = 	snop  }
0xb5: {  	[spmem:s2] =	stream.indirect.scatter.add.f32 [tilespmem:s0], [sflag:$0x1], $0x80, s18, s31, $0xb8;
	[tilespmem:$0x19C00] =	vst v63  }
0xb6: {  	_ = 	snop  }
0xb7: {  	[spmem:s2] =	stream.indirect.scatter.add.f32 [tilespmem:s0], [sflag:$0x1], $0x80, s19, s31, $0xb8;
	[tilespmem:$0x19C00] =	vst v63  }
0xb8: {  	_ = 	snop  }
0xb9: {  	[spmem:s2] =	stream.indirect.scatter.add.f32 [tilespmem:s0], [sflag:$0x1], $0x80, s20, s31, $0xb8;
	[tilespmem:$0x19C00] =	vst v63  }
0xba: {  	_ = 	snop  }
0xbb: {  	[spmem:s2] =	stream.indirect.scatter.add.f32 [tilespmem:s0], [sflag:$0x1], $0x80, s21, s31, $0xb8;
	[tilespmem:$0x19C00] =	vst v63  }
0xbc: {  	_ = 	snop  }
0xbd: {  	[spmem:s2] =	stream.indirect.scatter.add.f32 [tilespmem:s0], [sflag:$0x1], $0x80, s22, s31, $0xb8;
	[tilespmem:$0x19C00] =	vst v63  }
0xbe: {  	s26 =	simm.s32 $0x14980  }
0xbf: {  	[spmem:s2] =	stream.indirect.scatter.add.f32 [tilespmem:s0], [sflag:$0x1], $0x80, s26, s31, $0xb8;
	[tilespmem:$0x19C00] =	vst v63  }
0xc0: {  	_ =	swait.ge [sflag:s24], $0x4000  }
0xc1: {  	[sflag:s24] =	ssyncset.done $0x0  }
0xc2: {  	[sflag:s24] =	ssyncadd.s32 $0xFFFFC000  }
0xc3: {  	_ =	swait.ge [sflag:s24], $0x4000  }
0xc4: {  	[sflag:s24] =	ssyncset.done $0x0  }
0xc5: {  	[sflag:s24] =	ssyncadd.s32 $0xFFFFC000  }
0xc6: {  	_ =	swait.ge [sflag:s24], $0x4000  }
0xc7: {  	[sflag:s24] =	ssyncset.done $0x0  }
0xc8: {  	[sflag:s24] =	ssyncadd.s32 $0xFFFFC000  }
0xc9: {  	_ =	swait.ge [sflag:s24], $0x4000  }
0xca: {  	[sflag:s24] =	ssyncset.done $0x0  }
0xcb: {  	[sflag:s24] =	ssyncadd.s32 $0xFFFFC000  }
0xcc: {  	_ =	swait.ge [sflag:s24], $0x4000  }
0xcd: {  	[sflag:s24] =	ssyncset.done $0x0  }
0xce: {  	[sflag:s24] =	ssyncadd.s32 $0xFFFFC000  }
0xcf: {  	_ =	swait.ge [sflag:s24], $0x4000  }
0xd0: {  	[sflag:s24] =	ssyncset.done $0x0  }
0xd1: {  	[sflag:s24] =	ssyncadd.s32 $0xFFFFC000  }
0xd2: {  	_ =	swait.ge [sflag:s24], $0x4000  }
0xd3: {  	[sflag:s24] =	ssyncset.done $0x0  }
0xd4: {  	[sflag:s24] =	ssyncadd.s32 $0xFFFFC000  }
0xd5: {  	_ =	swait.ge [sflag:s24], $0x4000  }
0xd6: {  	[sflag:s24] =	ssyncset.done $0x0  }
0xd7: {  	[sflag:s24] =	ssyncadd.s32 $0xFFFFC000  }
0xd8: {  	_ =	swait.ge [sflag:s24], $0x4000  }
0xd9: {  	[sflag:s24] =	ssyncset.done $0x0  }
0xda: {  	[sflag:s24] =	ssyncadd.s32 $0xFFFFC000  }
0xdb: {  	_ =	swait.ge [sflag:s24], $0x4000  }
0xdc: {  	[sflag:s24] =	ssyncset.done $0x0  }
0xdd: {  	[sflag:s24] =	ssyncadd.s32 $0xFFFFC000  }
0xde: {  	_ =	swait.ge [sflag:s24], $0x4000  }
0xdf: {  	[sflag:s24] =	ssyncset.done $0x0  }
0xe0: {  	[sflag:s24] =	ssyncadd.s32 $0xFFFFC000  }
0xe1: {  	_ =	swait.ge [sflag:s24], $0x4000  }
0xe2: {  	[sflag:s24] =	ssyncset.done $0x0  }
0xe3: {  	[sflag:s24] =	ssyncadd.s32 $0xFFFFC000  }
0xe4: {  	_ =	swait.ge [sflag:s24], $0x4000  }
0xe5: {  	[sflag:s24] =	ssyncset.done $0x0  }
0xe6: {  	[sflag:s24] =	ssyncadd.s32 $0xFFFFC000  }
0xe7: {  	_ =	swait.ge [sflag:s24], $0x4000  }
0xe8: {  	[sflag:s24] =	ssyncset.done $0x0  }
0xe9: {  	[sflag:s24] =	ssyncadd.s32 $0xFFFFC000  }
0xea: {  	_ =	swait.ge [sflag:s24], $0x4000  }
0xeb: {  	[sflag:s24] =	ssyncset.done $0x0  }
0xec: {  	[sflag:s24] =	ssyncadd.s32 $0xFFFFC000  }
0xed: {  	_ =	swait.ge [sflag:s24], $0x4000  }
0xee: {  	[sflag:s24] =	ssyncset.done $0x0  }
0xef: {  	[sflag:s24] =	ssyncadd.s32 $0xFFFFC000  }
0xf0: {  	_ =	swait.ge [sflag:s24], $0x4000  }
0xf1: {  	[sflag:s24] =	ssyncset.done $0x0  }
0xf2: {  	[sflag:s24] =	ssyncadd.s32 $0xFFFFC000  }
0xf3: {  	_ =	swait.ge [sflag:s24], $0x4000  }
0xf4: {  	[sflag:s24] =	ssyncset.done $0x0  }
0xf5: {  	[sflag:s24] =	ssyncadd.s32 $0xFFFFC000  }
0xf6: {  	_ =	swait.ge [sflag:s24], $0x4000  }
0xf7: {  	[sflag:s24] =	ssyncset.done $0x0  }
0xf8: {  	[sflag:s24] =	ssyncadd.s32 $0xFFFFC000  }
0xf9: {  	s3 =	simm.s32 $0x0;
	_ =	swait.ge [sflag:s24], $0x4000  }
0xfa: {  	s4 =	simm.s32 $0x180;
	s26 =	simm.s32 $0x300;
	[sflag:s24] =	ssyncset.done $0x0  }
.LBB2_6:
0xfb: {  	s5 =	sadd.s32 s4, s23  }
0xfc: {  	[sflag:s24] =	ssyncadd.s32 $0xFFFFC000;
	s4 =	smov.u32 s26;
	s1 =	sadd.s32 $0x180, s26  }
0xfd: {  	[tilespmem:s30], [sflag:$0x2] =	stream.linear.gather [hbm4b:s5+s3], $0xA00, $0x38;
	[tilespmem:$0x19C00] =	vst v63  }
0xfe: {  	s5 =	simm.s32 $0x14080  }
0xff: {  	p0 =	sne.s32 s26, $0x480;
	_ =	swait.ge [sflag:s29], $0xA00  }
0x100: {  	[sflag:s29] =	ssyncset.done $0x0  }
0x101: {  	[sflag:s29] =	ssyncadd.s32 $0xFFFFF600  }
0x102: {  	[spmem:s2] =	stream.indirect.scatter.add.f32 [tilespmem:s0], [sflag:$0x1], $0x80, s30, s31, $0xb8;
	[tilespmem:$0x19C00] =	vst v63  }
0x103: {  	_ = 	snop  }
0x104: {  	[spmem:s2] =	stream.indirect.scatter.add.f32 [tilespmem:s0], [sflag:$0x1], $0x80, s5, s31, $0xb8;
	[tilespmem:$0x19C00] =	vst v63  }
0x105: {  	_ = 	snop  }
0x106: {  	[spmem:s2] =	stream.indirect.scatter.add.f32 [tilespmem:s0], [sflag:$0x1], $0x80, s6, s31, $0xb8;
	[tilespmem:$0x19C00] =	vst v63  }
0x107: {  	_ = 	snop  }
0x108: {  	[spmem:s2] =	stream.indirect.scatter.add.f32 [tilespmem:s0], [sflag:$0x1], $0x80, s7, s31, $0xb8;
	[tilespmem:$0x19C00] =	vst v63  }
0x109: {  	_ = 	snop  }
0x10a: {  	[spmem:s2] =	stream.indirect.scatter.add.f32 [tilespmem:s0], [sflag:$0x1], $0x80, s8, s31, $0xb8;
	[tilespmem:$0x19C00] =	vst v63  }
0x10b: {  	_ = 	snop  }
0x10c: {  	[spmem:s2] =	stream.indirect.scatter.add.f32 [tilespmem:s0], [sflag:$0x1], $0x80, s9, s31, $0xb8;
	[tilespmem:$0x19C00] =	vst v63  }
0x10d: {  	_ = 	snop  }
0x10e: {  	[spmem:s2] =	stream.indirect.scatter.add.f32 [tilespmem:s0], [sflag:$0x1], $0x80, s10, s31, $0xb8;
	[tilespmem:$0x19C00] =	vst v63  }
0x10f: {  	_ = 	snop  }
0x110: {  	[spmem:s2] =	stream.indirect.scatter.add.f32 [tilespmem:s0], [sflag:$0x1], $0x80, s11, s31, $0xb8;
	[tilespmem:$0x19C00] =	vst v63  }
0x111: {  	_ = 	snop  }
0x112: {  	[spmem:s2] =	stream.indirect.scatter.add.f32 [tilespmem:s0], [sflag:$0x1], $0x80, s12, s31, $0xb8;
	[tilespmem:$0x19C00] =	vst v63  }
0x113: {  	_ = 	snop  }
0x114: {  	[spmem:s2] =	stream.indirect.scatter.add.f32 [tilespmem:s0], [sflag:$0x1], $0x80, s13, s31, $0xb8;
	[tilespmem:$0x19C00] =	vst v63  }
0x115: {  	_ = 	snop  }
0x116: {  	[spmem:s2] =	stream.indirect.scatter.add.f32 [tilespmem:s0], [sflag:$0x1], $0x80, s14, s31, $0xb8;
	[tilespmem:$0x19C00] =	vst v63  }
0x117: {  	_ = 	snop  }
0x118: {  	[spmem:s2] =	stream.indirect.scatter.add.f32 [tilespmem:s0], [sflag:$0x1], $0x80, s15, s31, $0xb8;
	[tilespmem:$0x19C00] =	vst v63  }
0x119: {  	_ = 	snop  }
0x11a: {  	[spmem:s2] =	stream.indirect.scatter.add.f32 [tilespmem:s0], [sflag:$0x1], $0x80, s16, s31, $0xb8;
	[tilespmem:$0x19C00] =	vst v63  }
0x11b: {  	_ = 	snop  }
0x11c: {  	[spmem:s2] =	stream.indirect.scatter.add.f32 [tilespmem:s0], [sflag:$0x1], $0x80, s17, s31, $0xb8;
	[tilespmem:$0x19C00] =	vst v63  }
0x11d: {  	_ = 	snop  }
0x11e: {  	[spmem:s2] =	stream.indirect.scatter.add.f32 [tilespmem:s0], [sflag:$0x1], $0x80, s18, s31, $0xb8;
	[tilespmem:$0x19C00] =	vst v63  }
0x11f: {  	_ = 	snop  }
0x120: {  	[spmem:s2] =	stream.indirect.scatter.add.f32 [tilespmem:s0], [sflag:$0x1], $0x80, s19, s31, $0xb8;
	[tilespmem:$0x19C00] =	vst v63  }
0x121: {  	_ = 	snop  }
0x122: {  	[spmem:s2] =	stream.indirect.scatter.add.f32 [tilespmem:s0], [sflag:$0x1], $0x80, s20, s31, $0xb8;
	[tilespmem:$0x19C00] =	vst v63  }
0x123: {  	_ = 	snop  }
0x124: {  	[spmem:s2] =	stream.indirect.scatter.add.f32 [tilespmem:s0], [sflag:$0x1], $0x80, s21, s31, $0xb8;
	[tilespmem:$0x19C00] =	vst v63  }
0x125: {  	_ = 	snop  }
0x126: {  	[spmem:s2] =	stream.indirect.scatter.add.f32 [tilespmem:s0], [sflag:$0x1], $0x80, s22, s31, $0xb8;
	[tilespmem:$0x19C00] =	vst v63  }
0x127: {  	s26 =	simm.s32 $0x14980  }
0x128: {  	[spmem:s2] =	stream.indirect.scatter.add.f32 [tilespmem:s0], [sflag:$0x1], $0x80, s26, s31, $0xb8;
	[tilespmem:$0x19C00] =	vst v63  }
0x129: {  	_ =	swait.ge [sflag:s24], $0x4000  }
0x12a: {  	[sflag:s24] =	ssyncset.done $0x0  }
0x12b: {  	[sflag:s24] =	ssyncadd.s32 $0xFFFFC000  }
0x12c: {  	_ =	swait.ge [sflag:s24], $0x4000  }
0x12d: {  	[sflag:s24] =	ssyncset.done $0x0  }
0x12e: {  	[sflag:s24] =	ssyncadd.s32 $0xFFFFC000  }
0x12f: {  	_ =	swait.ge [sflag:s24], $0x4000  }
0x130: {  	[sflag:s24] =	ssyncset.done $0x0  }
0x131: {  	[sflag:s24] =	ssyncadd.s32 $0xFFFFC000  }
0x132: {  	_ =	swait.ge [sflag:s24], $0x4000  }
0x133: {  	[sflag:s24] =	ssyncset.done $0x0  }
0x134: {  	[sflag:s24] =	ssyncadd.s32 $0xFFFFC000  }
0x135: {  	_ =	swait.ge [sflag:s24], $0x4000  }
0x136: {  	[sflag:s24] =	ssyncset.done $0x0  }
0x137: {  	[sflag:s24] =	ssyncadd.s32 $0xFFFFC000  }
0x138: {  	_ =	swait.ge [sflag:s24], $0x4000  }
0x139: {  	[sflag:s24] =	ssyncset.done $0x0  }
0x13a: {  	[sflag:s24] =	ssyncadd.s32 $0xFFFFC000  }
0x13b: {  	_ =	swait.ge [sflag:s24], $0x4000  }
0x13c: {  	[sflag:s24] =	ssyncset.done $0x0  }
0x13d: {  	[sflag:s24] =	ssyncadd.s32 $0xFFFFC000  }
0x13e: {  	_ =	swait.ge [sflag:s24], $0x4000  }
0x13f: {  	[sflag:s24] =	ssyncset.done $0x0  }
0x140: {  	[sflag:s24] =	ssyncadd.s32 $0xFFFFC000  }
0x141: {  	_ =	swait.ge [sflag:s24], $0x4000  }
0x142: {  	[sflag:s24] =	ssyncset.done $0x0  }
0x143: {  	[sflag:s24] =	ssyncadd.s32 $0xFFFFC000  }
0x144: {  	_ =	swait.ge [sflag:s24], $0x4000  }
0x145: {  	[sflag:s24] =	ssyncset.done $0x0  }
0x146: {  	[sflag:s24] =	ssyncadd.s32 $0xFFFFC000  }
0x147: {  	_ =	swait.ge [sflag:s24], $0x4000  }
0x148: {  	[sflag:s24] =	ssyncset.done $0x0  }
0x149: {  	[sflag:s24] =	ssyncadd.s32 $0xFFFFC000  }
0x14a: {  	_ =	swait.ge [sflag:s24], $0x4000  }
0x14b: {  	[sflag:s24] =	ssyncset.done $0x0  }
0x14c: {  	[sflag:s24] =	ssyncadd.s32 $0xFFFFC000  }
0x14d: {  	_ =	swait.ge [sflag:s24], $0x4000  }
0x14e: {  	[sflag:s24] =	ssyncset.done $0x0  }
0x14f: {  	[sflag:s24] =	ssyncadd.s32 $0xFFFFC000  }
0x150: {  	_ =	swait.ge [sflag:s24], $0x4000  }
0x151: {  	[sflag:s24] =	ssyncset.done $0x0  }
0x152: {  	[sflag:s24] =	ssyncadd.s32 $0xFFFFC000  }
0x153: {  	_ =	swait.ge [sflag:s24], $0x4000  }
0x154: {  	[sflag:s24] =	ssyncset.done $0x0  }
0x155: {  	[sflag:s24] =	ssyncadd.s32 $0xFFFFC000  }
0x156: {  	_ =	swait.ge [sflag:s24], $0x4000  }
0x157: {  	[sflag:s24] =	ssyncset.done $0x0  }
0x158: {  	[sflag:s24] =	ssyncadd.s32 $0xFFFFC000  }
0x159: {  	_ =	swait.ge [sflag:s24], $0x4000  }
0x15a: {  	[sflag:s24] =	ssyncset.done $0x0  }
0x15b: {  	[sflag:s24] =	ssyncadd.s32 $0xFFFFC000  }
0x15c: {  	_ =	swait.ge [sflag:s24], $0x4000  }
0x15d: {  	[sflag:s24] =	ssyncset.done $0x0  }
0x15e: {  	[sflag:s24] =	ssyncadd.s32 $0xFFFFC000  }
.Ltmp2:
0x15f: {  	_ =	swait.ge [sflag:s24], $0x4000;
	(pc) =	sbr.rel @p0 .LBB2_6-.Ltmp2, $4  }
0x160: {  	[sflag:s24] =	ssyncset.done $0x0  }
0x161: {  	[sflag:s24] =	ssyncadd.s32 $0xFFFFC000  }
0x162: {  	_ =	swait.ge [sflag:s24], $0x4000  }
0x163: {  	s26 =	smov.u32 s1;
	[sflag:s24] =	ssyncset.done $0x0  }
0x164: {  	s1 =	sadd.s32 s4, s23;
	[sflag:s24] =	ssyncadd.s32 $0xFFFFC000;
	s3 =	simm.s32 $0x0  }
0x165: {  	[tilespmem:s30], [sflag:$0x2] =	stream.linear.gather [hbm4b:s1+s3], $0xA00, $0x38;
	[tilespmem:$0x19C00] =	vst v63  }
0x166: {  	_ =	swait.ge [sflag:s29], $0xA00  }
0x167: {  	[sflag:s29] =	ssyncset.done $0x0  }
0x168: {  	[sflag:s29] =	ssyncadd.s32 $0xFFFFF600  }
0x169: {  	[spmem:s2] =	stream.indirect.scatter.add.f32 [tilespmem:s0], [sflag:$0x1], $0x80, s30, s31, $0xb8;
	[tilespmem:$0x19C00] =	vst v63  }
0x16a: {  	_ = 	snop  }
0x16b: {  	[spmem:s2] =	stream.indirect.scatter.add.f32 [tilespmem:s0], [sflag:$0x1], $0x80, s5, s31, $0xb8;
	[tilespmem:$0x19C00] =	vst v63  }
0x16c: {  	_ = 	snop  }
0x16d: {  	[spmem:s2] =	stream.indirect.scatter.add.f32 [tilespmem:s0], [sflag:$0x1], $0x80, s6, s31, $0xb8;
	[tilespmem:$0x19C00] =	vst v63  }
0x16e: {  	_ = 	snop  }
0x16f: {  	[spmem:s2] =	stream.indirect.scatter.add.f32 [tilespmem:s0], [sflag:$0x1], $0x80, s7, s31, $0xb8;
	[tilespmem:$0x19C00] =	vst v63  }
0x170: {  	_ = 	snop  }
0x171: {  	[spmem:s2] =	stream.indirect.scatter.add.f32 [tilespmem:s0], [sflag:$0x1], $0x80, s8, s31, $0xb8;
	[tilespmem:$0x19C00] =	vst v63  }
0x172: {  	_ = 	snop  }
0x173: {  	[spmem:s2] =	stream.indirect.scatter.add.f32 [tilespmem:s0], [sflag:$0x1], $0x80, s9, s31, $0xb8;
	[tilespmem:$0x19C00] =	vst v63  }
0x174: {  	_ = 	snop  }
0x175: {  	[spmem:s2] =	stream.indirect.scatter.add.f32 [tilespmem:s0], [sflag:$0x1], $0x80, s10, s31, $0xb8;
	[tilespmem:$0x19C00] =	vst v63  }
0x176: {  	_ = 	snop  }
0x177: {  	[spmem:s2] =	stream.indirect.scatter.add.f32 [tilespmem:s0], [sflag:$0x1], $0x80, s11, s31, $0xb8;
	[tilespmem:$0x19C00] =	vst v63  }
0x178: {  	_ = 	snop  }
0x179: {  	[spmem:s2] =	stream.indirect.scatter.add.f32 [tilespmem:s0], [sflag:$0x1], $0x80, s12, s31, $0xb8;
	[tilespmem:$0x19C00] =	vst v63  }
0x17a: {  	_ = 	snop  }
0x17b: {  	[spmem:s2] =	stream.indirect.scatter.add.f32 [tilespmem:s0], [sflag:$0x1], $0x80, s13, s31, $0xb8;
	[tilespmem:$0x19C00] =	vst v63  }
0x17c: {  	_ = 	snop  }
0x17d: {  	[spmem:s2] =	stream.indirect.scatter.add.f32 [tilespmem:s0], [sflag:$0x1], $0x80, s14, s31, $0xb8;
	[tilespmem:$0x19C00] =	vst v63  }
0x17e: {  	_ = 	snop  }
0x17f: {  	[spmem:s2] =	stream.indirect.scatter.add.f32 [tilespmem:s0], [sflag:$0x1], $0x80, s15, s31, $0xb8;
	[tilespmem:$0x19C00] =	vst v63  }
0x180: {  	_ = 	snop  }
0x181: {  	[spmem:s2] =	stream.indirect.scatter.add.f32 [tilespmem:s0], [sflag:$0x1], $0x80, s16, s31, $0xb8;
	[tilespmem:$0x19C00] =	vst v63  }
0x182: {  	_ = 	snop  }
0x183: {  	[spmem:s2] =	stream.indirect.scatter.add.f32 [tilespmem:s0], [sflag:$0x1], $0x80, s17, s31, $0xb8;
	[tilespmem:$0x19C00] =	vst v63  }
0x184: {  	_ = 	snop  }
0x185: {  	[spmem:s2] =	stream.indirect.scatter.add.f32 [tilespmem:s0], [sflag:$0x1], $0x80, s18, s31, $0xb8;
	[tilespmem:$0x19C00] =	vst v63  }
0x186: {  	_ = 	snop  }
0x187: {  	[spmem:s2] =	stream.indirect.scatter.add.f32 [tilespmem:s0], [sflag:$0x1], $0x80, s19, s31, $0xb8;
	[tilespmem:$0x19C00] =	vst v63  }
0x188: {  	_ = 	snop  }
0x189: {  	[spmem:s2] =	stream.indirect.scatter.add.f32 [tilespmem:s0], [sflag:$0x1], $0x80, s20, s31, $0xb8;
	[tilespmem:$0x19C00] =	vst v63  }
0x18a: {  	_ = 	snop  }
0x18b: {  	[spmem:s2] =	stream.indirect.scatter.add.f32 [tilespmem:s0], [sflag:$0x1], $0x80, s21, s31, $0xb8;
	[tilespmem:$0x19C00] =	vst v63  }
0x18c: {  	_ = 	snop  }
0x18d: {  	[spmem:s2] =	stream.indirect.scatter.add.f32 [tilespmem:s0], [sflag:$0x1], $0x80, s22, s31, $0xb8;
	[tilespmem:$0x19C00] =	vst v63  }
0x18e: {  	s26 =	simm.s32 $0x14980  }
0x18f: {  	[spmem:s2] =	stream.indirect.scatter.add.f32 [tilespmem:s0], [sflag:$0x1], $0x80, s26, s31, $0xb8;
	[tilespmem:$0x19C00] =	vst v63  }
0x190: {  	_ =	swait.ge [sflag:s24], $0x4000  }
0x191: {  	[sflag:s24] =	ssyncset.done $0x0  }
0x192: {  	[sflag:s24] =	ssyncadd.s32 $0xFFFFC000  }
0x193: {  	_ =	swait.ge [sflag:s24], $0x4000  }
0x194: {  	[sflag:s24] =	ssyncset.done $0x0  }
0x195: {  	[sflag:s24] =	ssyncadd.s32 $0xFFFFC000  }
0x196: {  	_ =	swait.ge [sflag:s24], $0x4000  }
0x197: {  	[sflag:s24] =	ssyncset.done $0x0  }
0x198: {  	[sflag:s24] =	ssyncadd.s32 $0xFFFFC000  }
0x199: {  	_ =	swait.ge [sflag:s24], $0x4000  }
0x19a: {  	[sflag:s24] =	ssyncset.done $0x0  }
0x19b: {  	[sflag:s24] =	ssyncadd.s32 $0xFFFFC000  }
0x19c: {  	_ =	swait.ge [sflag:s24], $0x4000  }
0x19d: {  	[sflag:s24] =	ssyncset.done $0x0  }
0x19e: {  	[sflag:s24] =	ssyncadd.s32 $0xFFFFC000  }
0x19f: {  	_ =	swait.ge [sflag:s24], $0x4000  }
0x1a0: {  	[sflag:s24] =	ssyncset.done $0x0  }
0x1a1: {  	[sflag:s24] =	ssyncadd.s32 $0xFFFFC000  }
0x1a2: {  	_ =	swait.ge [sflag:s24], $0x4000  }
0x1a3: {  	[sflag:s24] =	ssyncset.done $0x0  }
0x1a4: {  	[sflag:s24] =	ssyncadd.s32 $0xFFFFC000  }
0x1a5: {  	_ =	swait.ge [sflag:s24], $0x4000  }
0x1a6: {  	[sflag:s24] =	ssyncset.done $0x0  }
0x1a7: {  	[sflag:s24] =	ssyncadd.s32 $0xFFFFC000  }
0x1a8: {  	_ =	swait.ge [sflag:s24], $0x4000  }
0x1a9: {  	[sflag:s24] =	ssyncset.done $0x0  }
0x1aa: {  	[sflag:s24] =	ssyncadd.s32 $0xFFFFC000  }
0x1ab: {  	_ =	swait.ge [sflag:s24], $0x4000  }
0x1ac: {  	[sflag:s24] =	ssyncset.done $0x0  }
0x1ad: {  	[sflag:s24] =	ssyncadd.s32 $0xFFFFC000  }
0x1ae: {  	_ =	swait.ge [sflag:s24], $0x4000  }
0x1af: {  	[sflag:s24] =	ssyncset.done $0x0  }
0x1b0: {  	[sflag:s24] =	ssyncadd.s32 $0xFFFFC000  }
0x1b1: {  	_ =	swait.ge [sflag:s24], $0x4000  }
0x1b2: {  	[sflag:s24] =	ssyncset.done $0x0  }
0x1b3: {  	[sflag:s24] =	ssyncadd.s32 $0xFFFFC000  }
0x1b4: {  	_ =	swait.ge [sflag:s24], $0x4000  }
0x1b5: {  	[sflag:s24] =	ssyncset.done $0x0  }
0x1b6: {  	[sflag:s24] =	ssyncadd.s32 $0xFFFFC000  }
0x1b7: {  	_ =	swait.ge [sflag:s24], $0x4000  }
0x1b8: {  	[sflag:s24] =	ssyncset.done $0x0  }
0x1b9: {  	[sflag:s24] =	ssyncadd.s32 $0xFFFFC000  }
0x1ba: {  	_ =	swait.ge [sflag:s24], $0x4000  }
0x1bb: {  	[sflag:s24] =	ssyncset.done $0x0  }
0x1bc: {  	[sflag:s24] =	ssyncadd.s32 $0xFFFFC000  }
0x1bd: {  	_ =	swait.ge [sflag:s24], $0x4000  }
0x1be: {  	[sflag:s24] =	ssyncset.done $0x0  }
0x1bf: {  	[sflag:s24] =	ssyncadd.s32 $0xFFFFC000  }
0x1c0: {  	_ =	swait.ge [sflag:s24], $0x4000  }
0x1c1: {  	[sflag:s24] =	ssyncset.done $0x0  }
0x1c2: {  	[sflag:s24] =	ssyncadd.s32 $0xFFFFC000  }
0x1c3: {  	_ =	swait.ge [sflag:s24], $0x4000  }
0x1c4: {  	[sflag:s24] =	ssyncset.done $0x0  }
0x1c5: {  	[sflag:s24] =	ssyncadd.s32 $0xFFFFC000  }
0x1c6: {  	_ =	swait.ge [sflag:s24], $0x4000  }
0x1c7: {  	[sflag:s24] =	ssyncset.done $0x0  }
0x1c8: {  	[sflag:s24] =	ssyncadd.s32 $0xFFFFC000  }
0x1c9: {  	_ =	swait.ge [sflag:s24], $0x4000  }
0x1ca: {  	[sflag:s24] =	ssyncset.done $0x0  }
0x1cb: {  	[sflag:s24] =	ssyncadd.s32 $0xFFFFC000  }
0x1cc: {  	[bflag:$0x0] =	sbarrier.arrive $0xFFFF  }
0x1cd: {  	s26 =	rddreg [dreg:$0x4]  }
0x1ce: {  	[tilespmem:s28], [sflag:$0x2] =	stream.linear.gather [spmem:s26], $0x1000, $0x38;
	[tilespmem:$0x19C00] =	vst v63  }
0x1cf: {  	_ =	swait.ge [sflag:s29], $0x1000  }
0x1d0: {  	[sflag:s29] =	ssyncset.done $0x0  }
0x1d1: {  	s4 =	sadd.s32 $0x0, s25;
	[sflag:s29] =	ssyncadd.s32 $0xFFFFF000  }
0x1d2: {  	[hbm4b:s4+s3] =	stream.linear.scatter [tilespmem:s28], [sflag:$0x2], $0x1000, $0x38;
	[tilespmem:$0x19C00] =	vst v63  }
0x1d3: {  	_ =	swait.ge [sflag:s29], $0x1000  }
0x1d4: {  	s4 =	simm.s32 $0x200;
	s3 =	simm.s32 $0x0;
	[sflag:s29] =	ssyncset.done $0x0  }
.LBB2_8:
0x1d5: {  	p0 =	sne.s32 s4, $0x2600;
	[sflag:s29] =	ssyncadd.s32 $0xFFFFF000;
	s26 =	sadd.s32 $0x1000, s26  }
0x1d6: {  	[tilespmem:s28], [sflag:$0x2] =	stream.linear.gather [spmem:s26], $0x1000, $0x38;
	[tilespmem:$0x19C00] =	vst v63  }
0x1d7: {  	s1 =	smov.u32 s4;
	s4 =	sadd.s32 $0x200, s4;
	_ =	swait.ge [sflag:s29], $0x1000  }
.Ltmp3:
0x1d8: {  	[sflag:s29] =	ssyncset.done $0x0;
	(pc) =	sbr.rel @p0 .LBB2_8-.Ltmp3, $4  }
0x1d9: {  	s1 =	sadd.s32 s1, s25;
	[sflag:s29] =	ssyncadd.s32 $0xFFFFF000  }
0x1da: {  	[hbm4b:s1+s3] =	stream.linear.scatter [tilespmem:s28], [sflag:$0x2], $0x1000, $0x38;
	[tilespmem:$0x19C00] =	vst v63  }
0x1db: {  	_ =	swait.ge [sflag:s29], $0x1000  }
0x1dc: {  	[sflag:s29] =	ssyncset.done $0x0  }
0x1dd: {  	s4 =	rddreg [dreg:$0x19]  }
0x1de: {  	s1 =	rddreg [dreg:$0x5];
	s4 =	sadd.s32 $0x1, s4  }
0x1df: {  	p0 =	sne.s32 s4, s1  }
.Ltmp4:
0x1e0: {  	_ = 	snop;
	(pc) =	sbr.rel @p0 .LBB2_1-.Ltmp4, $2  }
0x1e1: {  	_ =	sdelay $0x2  }
0x1e2: {  	[sflag:s29] =	ssyncadd.s32 $0xFFFFF000  }
0x1e3: {  	_ =	sfence.sel $0x180000  }
0x1e4: {  	[bflag:$0x0] =	sbarrier.arrive $0xFFFF  }
0x1e5: {  	_ =	strace $0x90000047  }
0x1e6: {  	s0 =	stileid.u32;
	[bflag:$0x2] =	sbarrier.arrive $0xFFFF  }
0x1e7: {  	p0 =	sne.s32 s0, $0x0;
	s0 =	rddreg [dreg:$0x3]  }
0x1e8: {  	s0 =	sadd.s32 @!p0 $0x100000, s0  }
0x1e9: {  	[sflag:s0] =	ssyncadd.tile.s32 @!p0 $0x1;
	_ =	shalt  }
.Lfunc_end2:
_tile_overlayer_lowered:
.L_overlay_start_2:
0x1ea: {  	(tag) =	ssettag $0x2  }
0x1eb: {  	s0 =	rddreg [dreg:$0x0];
	s2 =	stileid.u32  }
0x1ec: {  	s1 =	rddreg [dreg:$0x1];
	p0 =	sne.s32 s2, $0x0  }
0x1ed: {  	s3 =	rddreg [dreg:$0x2];
	[bflag:$0x3] =	sbarrier.arrive $0xFFFF;
	s2 =	simm.s32 @!p0 $0x1C02  }
0x1ee: {  	[timem:s3], [sflag:s2] =	dma.local @!p0 [hbm:s0], s1  }
0x1ef: {  	s0 =	simm.s32 @!p0 $0x2  }
0x1f0: {  	_ =	swait.ge @!p0 [sflag:s0], s1  }
0x1f1: {  	s1 =	ssub.s32 @!p0 $0x0, s1;
	[sflag:s0] =	ssyncset.done @!p0 $0x0  }
0x1f2: {  	[sflag:s0] =	ssyncadd.s32 @!p0 s1  }
0x1f3: {  	[bflag:$0x3] =	sbarrier.arrive $0xFFFF  }
0x1f4: {  	_ =	shalt  }

// kernel: kernel.9.cloned.1.call-start
scs
__scs_entry_jumppad:
0x0: {  	(pc) =	sbr.rel $0x88, $3  }
0x1: {  	(tag) =	ssettag $0x0;
	lr =	simm.s32 $0x1  }
0x2: {  	[smem:$0x3F9E] =	sst lr;
	_ =	strace $0xD0000000  }
0x3: {  	_ = 	snop  }
0x4: {  	_ = 	snop  }
0x5: {  	_ = 	snop  }
0x6: {  	_ = 	snop  }
0x7: {  	_ = 	snop  }
__scs_overlays_trampoline_lowered:
0x8: {  	[smem:$0x3FAD] =	sst s0  }
0x9: {  	[smem:$0x3FAE] =	sst s1  }
0xa: {  	[smem:$0x3FAF] =	sst s2  }
0xb: {  	[smem:$0x3FB0] =	sst s3  }
0xc: {  	[smem:$0x3FB1] =	sst s4  }
0xd: {  	[smem:$0x3FB2] =	sst s5  }
0xe: {  	[smem:$0x3FB3] =	sst s6  }
0xf: {  	[smem:$0x3FB4] =	sst s7  }
0x10: {  	[smem:$0x3FB5] =	sst s8  }
0x11: {  	[smem:$0x3FB6] =	sst s9;
	s0 =	simm.s32 @!p0 $0x0  }
0x12: {  	s1 =	sld [smem:$0x3F9C];
	s0 =	simm.s32 @p0 $0x1  }
0x13: {  	[smem:$0x3FB7] =	sst s0;
	s0 =	simm.s32 @!p1 $0x0  }
0x14: {  	s2 =	sld [smem:$0x3F9B];
	s0 =	simm.s32 @p1 $0x1  }
0x15: {  	[smem:$0x3FB8] =	sst s0;
	s0 =	simm.s32 @!p2 $0x0  }
0x16: {  	s3 =	sld [smem:$0x3FDB];
	s0 =	simm.s32 @p2 $0x1  }
0x17: {  	s4 =	simm.s32 $0x1BF5;
	[smem:$0x3FBA] =	sst s0  }
0x18: {  	s0 =	sld [smem:$0x3F9D];
	_ =	swait.ge [sflag:s4], $0x0  }
0x19: {  	s7 =	sld [smem:$0x3F9E]  }
0x1a: {  	s8 =	sadd.s32 $0xFFFFE003, lr  }
0x1b: {  	s9 =	sadd.s32 $0xFFFFFEF7, lr;
	s5 =	simm.s32 $0xFFFFFFFF;
	p2 =	slt.u32 s8, $0xFFFFF086  }
0x1c: {  	p1 =	slt.u32 s9, $0xF7A;
	s5 =	simm.s32 @!p2 $0x0  }
0x1d: {  	s5 =	simm.s32 @p1 $0x1;
	p0 =	seq.s32 s7, s2  }
0x1e: {  	s7 =	smul.u32 @!p0 $0xF7A, s2;
	p2 =	seq.s32 @!p0 s5, $0x0  }
0x1f: {  	s9 =	smul.u32 $0xF7A, s1;
	s8 =	simm.s32 @!p0 $0x1BF5;
	p2 =	por !p2, p0  }
0x20: {  	[sflag:s8] =	ssyncset.s32 @!p0 $0xFFFFF086;
	s6 =	sadd.s32 @!p0 s3, s7;
	s7 =	simm.s32 @!p0 $0x108  }
0x21: {  	s3 =	sadd.s32 s3, s9;
	s6 =	sadd.s32 @!p0 $0x88, s6;
	s7 =	simm.s32 @p2 $0x1082  }
0x22: {  	[simem:s7], [sflag:s8] =	dma.local @!p0 [hbm:s6], $0xF7A  }
0x23: {  	s9 =	sor.u32 $0xD0000000, s2;
	s6 =	simm.s32 $0x108;
	_ =	swait.ge @!p0 [sflag:s8], $0x0  }
0x24: {  	s3 =	sadd.s32 $0x88, s3;
	s6 =	simm.s32 @!p1 $0x1082;
	[sflag:s4] =	ssyncset.s32 $0xFFFFF086  }
0x25: {  	[simem:s6], [sflag:s4] =	dma.local [hbm:s3], $0xF7A  }
0x26: {  	[smem:$0x3F9E] =	sst s1;
	(tag) =	ssettag s2;
	_ =	strace s9  }
0x27: {  	s1 =	sld [smem:$0x3FAE]  }
0x28: {  	s2 =	sld [smem:$0x3FAF]  }
0x29: {  	s4 =	sld [smem:$0x3FB1]  }
0x2a: {  	p0 =	seq.s32 s5, $0x0;
	s5 =	sld [smem:$0x3FB2]  }
0x2b: {  	s6 =	sld [smem:$0x3FB3]  }
0x2c: {  	s7 =	sld [smem:$0x3FB4]  }
0x2d: {  	s3 =	simm.s32 $0x108;
	s8 =	sld [smem:$0x3FB5]  }
0x2e: {  	s3 =	simm.s32 @!p0 $0x1082;
	s9 =	sld [smem:$0x3FB6]  }
0x2f: {  	lr =	sadd.s32 s0, s3;
	s0 =	sld [smem:$0x3FAD]  }
0x30: {  	s3 =	sld [smem:$0x3FB0]  }
0x31: {  	[smem:$0x3FB9] =	sst s10  }
0x32: {  	s10 =	sld [smem:$0x3FB7];
	_ =	sdelay $0x3  }
0x33: {  	p0 =	seq.s32 s10, $0x1;
	s10 =	sld [smem:$0x3FB9];
	_ =	sdelay $0x3  }
0x34: {  	[smem:$0x3FB9] =	sst s10  }
0x35: {  	s10 =	sld [smem:$0x3FB8];
	_ =	sdelay $0x3  }
0x36: {  	p1 =	seq.s32 s10, $0x1;
	s10 =	sld [smem:$0x3FB9];
	_ =	sdelay $0x3  }
0x37: {  	[smem:$0x3FB9] =	sst s10  }
0x38: {  	s10 =	sld [smem:$0x3FBA]  }
0x39: {  	_ = 	snop;
	(pc) =	sbr.ind lr, $3  }
0x3a: {  	_ = 	snop  }
0x3b: {  	_ = 	snop  }
0x3c: {  	p2 =	seq.s32 s10, $0x1;
	s10 =	sld [smem:$0x3FB9]  }
0x3d: {  	_ =	shalt  }
0x3e: {  	_ =	shalt  }
0x3f: {  	_ =	shalt  }
0x40: {  	_ =	shalt  }
0x41: {  	_ =	shalt  }
0x42: {  	_ =	shalt  }
0x43: {  	_ =	shalt  }
0x44: {  	_ =	shalt  }
0x45: {  	_ =	shalt  }
0x46: {  	_ =	shalt  }
0x47: {  	_ =	shalt  }
0x48: {  	_ =	shalt  }
0x49: {  	_ =	shalt  }
0x4a: {  	_ =	shalt  }
0x4b: {  	_ =	shalt  }
0x4c: {  	_ =	shalt  }
0x4d: {  	_ =	shalt  }
0x4e: {  	_ =	shalt  }
0x4f: {  	_ =	shalt  }
0x50: {  	_ =	shalt  }
0x51: {  	_ =	shalt  }
0x52: {  	_ =	shalt  }
0x53: {  	_ =	shalt  }
0x54: {  	_ =	shalt  }
0x55: {  	_ =	shalt  }
0x56: {  	_ =	shalt  }
0x57: {  	_ =	shalt  }
0x58: {  	_ =	shalt  }
0x59: {  	_ =	shalt  }
0x5a: {  	_ =	shalt  }
0x5b: {  	_ =	shalt  }
0x5c: {  	_ =	shalt  }
0x5d: {  	_ =	shalt  }
0x5e: {  	_ =	shalt  }
0x5f: {  	_ =	shalt  }
0x60: {  	_ =	shalt  }
0x61: {  	_ =	shalt  }
0x62: {  	_ =	shalt  }
0x63: {  	_ =	shalt  }
0x64: {  	_ =	shalt  }
0x65: {  	_ =	shalt  }
0x66: {  	_ =	shalt  }
0x67: {  	_ =	shalt  }
0x68: {  	_ =	shalt  }
0x69: {  	_ =	shalt  }
0x6a: {  	_ =	shalt  }
0x6b: {  	_ =	shalt  }
0x6c: {  	_ =	shalt  }
0x6d: {  	_ =	shalt  }
0x6e: {  	_ =	shalt  }
0x6f: {  	_ =	shalt  }
0x70: {  	_ =	shalt  }
0x71: {  	_ =	shalt  }
0x72: {  	_ =	shalt  }
0x73: {  	_ =	shalt  }
0x74: {  	_ =	shalt  }
0x75: {  	_ =	shalt  }
0x76: {  	_ =	shalt  }
0x77: {  	_ =	shalt  }
0x78: {  	_ =	shalt  }
0x79: {  	_ =	shalt  }
0x7a: {  	_ =	shalt  }
0x7b: {  	_ =	shalt  }
0x7c: {  	_ =	shalt  }
0x7d: {  	_ =	shalt  }
0x7e: {  	_ =	shalt  }
0x7f: {  	_ =	shalt  }
0x80: {  	_ =	shalt  }
0x81: {  	_ =	shalt  }
0x82: {  	_ =	shalt  }
0x83: {  	_ =	shalt  }
0x84: {  	_ =	shalt  }
0x85: {  	_ =	shalt  }
0x86: {  	_ =	shalt  }
0x87: {  	_ =	shalt  }
.Lfunc_end0:
.L_simem_size_0:
called_computation.1_lowered:
.L_overlay_start_0:
0x88: {  	s2 =	sld [smem:$0x3FD9]  }
0x89: {  	s3 =	sld [smem:$0x3FFE];
	_ =	sdelay $0x1  }
0x8a: {  	s1 =	srdreg.scid  }
0x8b: {  	s0 =	sand.u32 $0x1, s1  }
0x8c: {  	s14 =	sshll.u32 s0, $0xA;
	s2 =	sadd.s32 s3, s2  }
0x8d: {  	s2 =	sadd.s32 s2, s14  }
0x8e: {  	[smem:$0x3FC5] =	sst s2  }
0x8f: {  	_ = 	snop  }
0x90: {  	s2 =	sld [smem:$0x3FD0];
	_ =	sdelay $0x2  }
0x91: {  	s15 =	simm.s32 $0xA;
	s4 =	simm.s32 $0x10  }
0x92: {  	[smem:s4], [sflag:s15] =	dma.local [hbm:s2], $0x1  }
0x93: {  	_ =	swait.eq [sflag:s15], $0x1  }
0x94: {  	[sflag:s15] =	ssyncset.done $0x0  }
0x95: {  	s16 =	sld [smem:$0x10];
	[sflag:s15] =	ssyncadd.s32 $0xFFFFFFFF  }
0x96: {  	s17 =	sld [smem:$0x11];
	(tm) =	ssettm $0x1  }
0x97: {  	s18 =	sld [smem:$0x3FFB];
	_ =	sdelay $0x3  }
0x98: {  	_ =	strace s18  }
0x99: {  	s4 =	sld [smem:$0x3FFC];
	_ =	sdelay $0x3  }
0x9a: {  	_ =	strace s4  }
0x9b: {  	s4 =	sld [smem:$0x3FFD];
	_ =	sdelay $0x3  }
0x9c: {  	_ =	strace s4  }
0x9d: {  	_ =	strace $0x8FFFFFFF  }
0x9e: {  	s19 =	sld [smem:$0x3FDB];
	_ =	sdelay $0x1  }
0x9f: {  	s5 =	simm.s32 $_scs_section_size  }
0xa0: {  	s6 =	simm.s32 $_size__tile_overlayer_lowered;
	s7 =	simm.s32 $_tile_overlayer_lowered  }
0xa1: {  	s22 =	simm.s32 $0x1BFF;
	s21 =	sshll.u32 s7, $0x1;
	s4 =	sadd.s32 s5, s19  }
0xa2: {  	s8 =	simm.s32 $0x0;
	s20 =	sshll.u32 s6, $0x1;
	s6 =	sadd.s32 s21, s4  }
0xa3: {  	[timem:s8], [sflag:s22] =	dma.local [hbm:s6], s20  }
0xa4: {  	_ =	swait.ge [sflag:s22], s20  }
0xa5: {  	s5 =	ssub.s32 $0x0, s20;
	[sflag:s22] =	ssyncset.done $0x0  }
0xa6: {  	[sflag:s22] =	ssyncadd.s32 s5;
	_ =	sdelay $0x1  }
0xa7: {  	s23 =	simm.s32 $0x1B8B  }
0xa8: {  	_ =	swait.ge [sflag:s23], $0x1  }
0xa9: {  	[sflag:s23] =	ssyncset.done $0x0  }
0xaa: {  	s25 =	simm.s32 $0x1B8E;
	s24 =	sld [smem:$0x3FFE];
	[sflag:s23] =	ssyncadd.s32 $0xFFFFFFFF  }
0xab: {  	s26 =	simm.s32 $execute0_lowered;
	[smem:$0x3FD2] =	sst s25  }
0xac: {  	s6 =	sshll.u32 s26, $0x1;
	_ =	strace $0x80000049;
	[dreg:$0x1] =	wrdreg $0xFFFFFFFF  }
0xad: {  	s28 =	simm.s32 $_size_execute0_lowered;
	s4 =	sadd.s32 s4, s6;
	[dreg:$0x0] =	wrdreg $0x0  }
0xae: {  	s6 =	sshll.u32 s28, $0x1;
	[dreg:$0x2] =	wrdreg s4  }
0xaf: {  	[dreg:$0x3] =	wrdreg s6  }
0xb0: {  	[dreg:$0x4] =	wrdreg $0xC0  }
0xb1: {  	_ =	task [dreg:s8], $0x5FFFF  }
0xb2: {  	[dreg:$0x1] =	wrdreg $0xFFFFFFFF  }
0xb3: {  	[dreg:$0x0] =	wrdreg $0x60  }
0xb4: {  	[dreg:$0x2] =	wrdreg s24  }
0xb5: {  	[dreg:$0x3] =	wrdreg s16  }
0xb6: {  	[dreg:$0x4] =	wrdreg s17  }
0xb7: {  	[dreg:$0x5] =	wrdreg $0x0  }
0xb8: {  	[dreg:$0x6] =	wrdreg $0x9  }
0xb9: {  	_ =	task.clear_ibuf [dreg:s8], $0x7FFFF;
	_ =	strace $0x90000049  }
0xba: {  	s29 =	simm.s32 $0x9;
	_ =	strace $0x8000004B  }
0xbb: {  	_ =	swait.ge [sflag:s29], $0x1  }
0xbc: {  	[sflag:s29] =	ssyncadd.s32 $0xFFFFFFFF  }
0xbd: {  	_ =	strace $0x9000004B  }
0xbe: {  	_ =	sfence  }
0xbf: {  	s30 =	sld [smem:$0x0];
	_ =	sdelay $0x2  }
0xc0: {  	s31 =	sshll.u32 s1, $0xD;
	s1 =	sshrl.u32 s1, $0x2  }
0xc1: {  	s3 =	sand.u32 $0x4000, s31;
	s1 =	sadd.s32 s1, s30  }
0xc2: {  	s0 =	sor.u32 s3, s0;
	s1 =	sshll.u32 s1, $0x11  }
0xc3: {  	s0 =	sor.u32 s1, s0  }
0xc4: {  	s0 =	sadd.s32 $0x8F2B, s0  }
0xc5: {  	[sflag:s0] =	ssyncadd.remote.s32 $0x1  }
0xc6: {  	_ =	sfence.sel $0xFFFF  }
0xc7: {  	[dreg:$0x0] =	wrdreg $0xFFFFFFFF;
	(pc) =	sbr.abs _section_cstart, $3  }
0xc8: {  	[dreg:$0x1] =	wrdreg $0xFFFFFFFF  }
0xc9: {  	_ =	task.clear_ibuf [dreg:s8], $0x2FFFF;
	_ =	strace $0x9FFFFFFF  }
0xca: {  	(tm) =	ssettm $0x7FFFFFFF  }
0xcb: {  	_ =	shalt  }
tec
execute0_lowered:
.L_overlay_start_1:
0x0: {  	(tag) =	ssettag $0x1  }
0x1: {  	s0 =	rddreg [dreg:$0x0]  }
0x2: {  	s1 =	rddreg [dreg:$0x1];
	s2 =	srdreg.scid  }
0x3: {  	s5 =	rddreg [dreg:$0x2];
	s10 =	stileid.u32;
	s3 =	simm.s32 $0x0  }
0x4: {  	s6 =	sand.u32 $0x1, s2;
	s2 =	rddreg [dreg:$0x3];
	s7 =	smul.u32 $0x14000, s10  }
0x5: {  	[smem:$0x7FF] =	sst s3;
	s8 =	smul.u32 $0x50000, s10;
	s10 =	sshll.u32 s10, $0x1  }
0x6: {  	s4 =	smul.u32 $0x140000, s6;
	_ =	strace $0x8000004A;
	s26 =	ssub.s32 $0x2, s6  }
0x7: {  	s6 =	sor.u32 s6, s10;
	s10 =	simm.s32 $0x14000;
	s8 =	sshrl.u32 s8, $0x2  }
0x8: {  	s9 =	sshrl.u32 s26, $0x1;
	s6 =	smul.u32 $0x3000, s6;
	s17 =	sadd.s32 s8, s2  }
0x9: {  	s4 =	sadd.s32 s7, s4;
	s8 =	simm.s32 $0x19800;
	s11 =	sadd.s32 $0x1000, s17  }
0xa: {  	s7 =	sshrl.u32 s4, $0x3;
	s12 =	sadd.s32 $0x2000, s17;
	[dreg:$0x6] =	wrdreg s11  }
0xb: {  	s4 =	sadd.s32 $0x1600, s0;
	s13 =	sadd.s32 $0x3000, s17;
	[dreg:$0x7] =	wrdreg s12  }
0xc: {  	s14 =	sadd.s32 $0x4000, s17;
	s15 =	sadd.s32 $0x5000, s17;
	[dreg:$0x8] =	wrdreg s13  }
0xd: {  	s16 =	sadd.s32 $0x6000, s17;
	s18 =	sadd.s32 $0x7000, s17;
	[dreg:$0x9] =	wrdreg s14  }
0xe: {  	s19 =	sadd.s32 $0x8000, s17;
	s20 =	sadd.s32 $0x9000, s17;
	[dreg:$0xa] =	wrdreg s15  }
0xf: {  	s6 =	sshrl.u32 s6, $0x3;
	s28 =	sadd.s32 $0xC000, s17;
	[dreg:$0xb] =	wrdreg s16  }
0x10: {  	s29 =	sadd.s32 $0xD000, s17;
	s30 =	sadd.s32 $0xE000, s17;
	[dreg:$0xc] =	wrdreg s18  }
0x11: {  	s31 =	sadd.s32 $0xF000, s17;
	s0 =	sadd.s32 s7, s0;
	[dreg:$0xd] =	wrdreg s19  }
0x12: {  	s7 =	ssub.s32 s26, s9;
	[dreg:$0xe] =	wrdreg s20;
	s21 =	sadd.s32 s1, s6  }
0x13: {  	s22 =	sadd.s32 s5, s6;
	s23 =	sor.u32 $0x180, s6;
	s25 =	sadd.s32 $0x300, s6  }
0x14: {  	s6 =	sadd.s32 $0x480, s6;
	s9 =	simm.s32 $0x2;
	s11 =	simm.s32 $0x14C00  }
0x15: {  	s12 =	simm.s32 $0x80;
	s13 =	simm.s32 $0x15800;
	s14 =	simm.s32 $0x1  }
0x16: {  	s15 =	simm.s32 $0x0;
	s7 =	smax.u32 s7, $0x1;
	[dreg:$0xf] =	wrdreg s21  }
0x17: {  	[dreg:$0x10] =	wrdreg s22;
	s24 =	sadd.s32 s1, s23;
	s26 =	sadd.s32 s1, s25  }
0x18: {  	s21 =	sadd.s32 s5, s25;
	s22 =	sadd.s32 s1, s6;
	[dreg:$0x5] =	wrdreg s7  }
0x19: {  	s25 =	sadd.s32 $0x29600, s0;
	s1 =	sadd.s32 $0x10000, s17;
	[dreg:$0x11] =	wrdreg s24  }
0x1a: {  	s0 =	sadd.s32 $0x11000, s17;
	s7 =	sadd.s32 s5, s23;
	[dreg:$0x13] =	wrdreg s26  }
0x1b: {  	s23 =	sadd.s32 s5, s6;
	s24 =	sadd.s32 $0xA000, s17;
	s26 =	sadd.s32 $0xB000, s17  }
0x1c: {  	v0 =	vimm.f32 $0.0e+00;
	s6 =	sadd.s32 $0x12000, s17;
	[dreg:$0x12] =	wrdreg s7;
	s7 =	sadd.s32 $0x13000, s17  }
.LBB2_1:
0x1d: {  	s16 =	simm.s32 $0x0;
	s5 =	simm.s32 $0x200  }
.LBB2_2:
0x1e: {  	p0 =	sne.s32 s5, $0x3E00;
	[tilespmem:s16+$0x19870] =	vst v0  }
0x1f: {  	[tilespmem:s16+$0x19800] =	vst v0  }
0x20: {  	[tilespmem:s16+$0x19810] =	vst v0  }
.Ltmp0:
0x21: {  	[tilespmem:s16+$0x19820] =	vst v0;
	(pc) =	sbr.rel @p0 .LBB2_2-.Ltmp0, $4  }
0x22: {  	[tilespmem:s16+$0x19830] =	vst v0  }
0x23: {  	[tilespmem:s16+$0x19840] =	vst v0  }
0x24: {  	[tilespmem:s16+$0x19850] =	vst v0  }
0x25: {  	[tilespmem:s16+$0x19860] =	vst v0;
	s16 =	sshra.s32 s5, $0x2;
	s5 =	sadd.s32 $0x200, s5  }
0x26: {  	[tilespmem:s16+$0x19870] =	vst v0  }
0x27: {  	[tilespmem:s16+$0x19800] =	vst v0  }
0x28: {  	[tilespmem:s16+$0x19810] =	vst v0  }
0x29: {  	[tilespmem:s16+$0x19820] =	vst v0  }
0x2a: {  	[tilespmem:s16+$0x19830] =	vst v0  }
0x2b: {  	[tilespmem:s16+$0x19840] =	vst v0  }
0x2c: {  	[tilespmem:s16+$0x19850] =	vst v0  }
0x2d: {  	[tilespmem:s16+$0x19860] =	vst v0  }
0x2e: {  	[spmem:s17] =	stream.linear.scatter [tilespmem:s8], [sflag:$0x2], $0x1000, $0x38;
	[tilespmem:$0x1A800] =	vst v63  }
0x2f: {  	_ =	swait.ge [sflag:s9], $0x1000  }
0x30: {  	[sflag:s9] =	ssyncset.done $0x0  }
0x31: {  	s5 =	rddreg [dreg:$0x6];
	[sflag:s9] =	ssyncadd.s32 $0xFFFFF000  }
0x32: {  	[spmem:s5] =	stream.linear.scatter [tilespmem:s8], [sflag:$0x2], $0x1000, $0x38;
	[tilespmem:$0x1A800] =	vst v63  }
0x33: {  	_ =	swait.ge [sflag:s9], $0x1000  }
0x34: {  	[sflag:s9] =	ssyncset.done $0x0  }
0x35: {  	s19 =	rddreg [dreg:$0x7];
	[sflag:s9] =	ssyncadd.s32 $0xFFFFF000  }
0x36: {  	[spmem:s19] =	stream.linear.scatter [tilespmem:s8], [sflag:$0x2], $0x1000, $0x38;
	[tilespmem:$0x1A800] =	vst v63  }
0x37: {  	_ =	swait.ge [sflag:s9], $0x1000  }
0x38: {  	[sflag:s9] =	ssyncset.done $0x0  }
0x39: {  	s20 =	rddreg [dreg:$0x8];
	[sflag:s9] =	ssyncadd.s32 $0xFFFFF000  }
0x3a: {  	[spmem:s20] =	stream.linear.scatter [tilespmem:s8], [sflag:$0x2], $0x1000, $0x38;
	[tilespmem:$0x1A800] =	vst v63  }
0x3b: {  	_ =	swait.ge [sflag:s9], $0x1000  }
0x3c: {  	[sflag:s9] =	ssyncset.done $0x0  }
0x3d: {  	s16 =	rddreg [dreg:$0x9];
	[sflag:s9] =	ssyncadd.s32 $0xFFFFF000  }
0x3e: {  	[spmem:s16] =	stream.linear.scatter [tilespmem:s8], [sflag:$0x2], $0x1000, $0x38;
	[tilespmem:$0x1A800] =	vst v63  }
0x3f: {  	_ =	swait.ge [sflag:s9], $0x1000  }
0x40: {  	[sflag:s9] =	ssyncset.done $0x0  }
0x41: {  	s18 =	rddreg [dreg:$0xa];
	[sflag:s9] =	ssyncadd.s32 $0xFFFFF000  }
0x42: {  	[spmem:s18] =	stream.linear.scatter [tilespmem:s8], [sflag:$0x2], $0x1000, $0x38;
	[tilespmem:$0x1A800] =	vst v63  }
0x43: {  	_ =	swait.ge [sflag:s9], $0x1000  }
0x44: {  	[sflag:s9] =	ssyncset.done $0x0  }
0x45: {  	s19 =	rddreg [dreg:$0xb];
	[sflag:s9] =	ssyncadd.s32 $0xFFFFF000  }
0x46: {  	[spmem:s19] =	stream.linear.scatter [tilespmem:s8], [sflag:$0x2], $0x1000, $0x38;
	[tilespmem:$0x1A800] =	vst v63  }
0x47: {  	_ =	swait.ge [sflag:s9], $0x1000  }
0x48: {  	[sflag:s9] =	ssyncset.done $0x0  }
0x49: {  	s20 =	rddreg [dreg:$0xc];
	[sflag:s9] =	ssyncadd.s32 $0xFFFFF000  }
0x4a: {  	[spmem:s20] =	stream.linear.scatter [tilespmem:s8], [sflag:$0x2], $0x1000, $0x38;
	[tilespmem:$0x1A800] =	vst v63  }
0x4b: {  	_ =	swait.ge [sflag:s9], $0x1000  }
0x4c: {  	[sflag:s9] =	ssyncset.done $0x0  }
0x4d: {  	s16 =	rddreg [dreg:$0xd];
	[sflag:s9] =	ssyncadd.s32 $0xFFFFF000  }
0x4e: {  	[spmem:s16] =	stream.linear.scatter [tilespmem:s8], [sflag:$0x2], $0x1000, $0x38;
	[tilespmem:$0x1A800] =	vst v63  }
0x4f: {  	_ =	swait.ge [sflag:s9], $0x1000  }
0x50: {  	[sflag:s9] =	ssyncset.done $0x0  }
0x51: {  	s18 =	rddreg [dreg:$0xe];
	[sflag:s9] =	ssyncadd.s32 $0xFFFFF000  }
0x52: {  	[spmem:s18] =	stream.linear.scatter [tilespmem:s8], [sflag:$0x2], $0x1000, $0x38;
	[tilespmem:$0x1A800] =	vst v63  }
0x53: {  	_ =	swait.ge [sflag:s9], $0x1000  }
0x54: {  	[sflag:s9] =	ssyncset.done $0x0  }
0x55: {  	[sflag:s9] =	ssyncadd.s32 $0xFFFFF000  }
0x56: {  	[spmem:s24] =	stream.linear.scatter [tilespmem:s8], [sflag:$0x2], $0x1000, $0x38;
	[tilespmem:$0x1A800] =	vst v63  }
0x57: {  	_ =	swait.ge [sflag:s9], $0x1000  }
0x58: {  	[sflag:s9] =	ssyncset.done $0x0  }
0x59: {  	[sflag:s9] =	ssyncadd.s32 $0xFFFFF000  }
0x5a: {  	[spmem:s26] =	stream.linear.scatter [tilespmem:s8], [sflag:$0x2], $0x1000, $0x38;
	[tilespmem:$0x1A800] =	vst v63  }
0x5b: {  	_ =	swait.ge [sflag:s9], $0x1000  }
0x5c: {  	[sflag:s9] =	ssyncset.done $0x0  }
0x5d: {  	[sflag:s9] =	ssyncadd.s32 $0xFFFFF000  }
0x5e: {  	[spmem:s28] =	stream.linear.scatter [tilespmem:s8], [sflag:$0x2], $0x1000, $0x38;
	[tilespmem:$0x1A800] =	vst v63  }
0x5f: {  	_ =	swait.ge [sflag:s9], $0x1000  }
0x60: {  	[sflag:s9] =	ssyncset.done $0x0  }
0x61: {  	[sflag:s9] =	ssyncadd.s32 $0xFFFFF000  }
0x62: {  	[spmem:s29] =	stream.linear.scatter [tilespmem:s8], [sflag:$0x2], $0x1000, $0x38;
	[tilespmem:$0x1A800] =	vst v63  }
0x63: {  	_ =	swait.ge [sflag:s9], $0x1000  }
0x64: {  	[sflag:s9] =	ssyncset.done $0x0  }
0x65: {  	[sflag:s9] =	ssyncadd.s32 $0xFFFFF000  }
0x66: {  	[spmem:s30] =	stream.linear.scatter [tilespmem:s8], [sflag:$0x2], $0x1000, $0x38;
	[tilespmem:$0x1A800] =	vst v63  }
0x67: {  	_ =	swait.ge [sflag:s9], $0x1000  }
0x68: {  	[sflag:s9] =	ssyncset.done $0x0  }
0x69: {  	[sflag:s9] =	ssyncadd.s32 $0xFFFFF000  }
0x6a: {  	[spmem:s31] =	stream.linear.scatter [tilespmem:s8], [sflag:$0x2], $0x1000, $0x38;
	[tilespmem:$0x1A800] =	vst v63  }
0x6b: {  	_ =	swait.ge [sflag:s9], $0x1000  }
0x6c: {  	[sflag:s9] =	ssyncset.done $0x0  }
0x6d: {  	[sflag:s9] =	ssyncadd.s32 $0xFFFFF000  }
0x6e: {  	[spmem:s1] =	stream.linear.scatter [tilespmem:s8], [sflag:$0x2], $0x1000, $0x38;
	[tilespmem:$0x1A800] =	vst v63  }
0x6f: {  	_ =	swait.ge [sflag:s9], $0x1000  }
0x70: {  	[sflag:s9] =	ssyncset.done $0x0  }
0x71: {  	[sflag:s9] =	ssyncadd.s32 $0xFFFFF000  }
0x72: {  	[spmem:s0] =	stream.linear.scatter [tilespmem:s8], [sflag:$0x2], $0x1000, $0x38;
	[tilespmem:$0x1A800] =	vst v63  }
0x73: {  	_ =	swait.ge [sflag:s9], $0x1000  }
0x74: {  	[sflag:s9] =	ssyncset.done $0x0  }
0x75: {  	[sflag:s9] =	ssyncadd.s32 $0xFFFFF000  }
0x76: {  	[spmem:s6] =	stream.linear.scatter [tilespmem:s8], [sflag:$0x2], $0x1000, $0x38;
	[tilespmem:$0x1A800] =	vst v63  }
0x77: {  	_ =	swait.ge [sflag:s9], $0x1000  }
0x78: {  	[sflag:s9] =	ssyncset.done $0x0  }
0x79: {  	[sflag:s9] =	ssyncadd.s32 $0xFFFFF000  }
0x7a: {  	[spmem:s7] =	stream.linear.scatter [tilespmem:s8], [sflag:$0x2], $0x1000, $0x38;
	[tilespmem:$0x1A800] =	vst v63  }
0x7b: {  	_ =	swait.ge [sflag:s9], $0x1000  }
0x7c: {  	[sflag:s9] =	ssyncset.done $0x0  }
0x7d: {  	[sflag:s9] =	ssyncadd.s32 $0xFFFFF000  }
0x7e: {  	[bflag:$0x0] =	sbarrier.arrive $0xFFFF  }
0x7f: {  	s19 =	simm.s32 $0x0;
	s20 =	rddreg [dreg:$0xf]  }
0x80: {  	[tilespmem:s10], [sflag:$0x2] =	stream.linear.gather [hbm4b:s20+s19], $0xA00, $0x38;
	[tilespmem:$0x1A800] =	vst v63  }
0x81: {  	_ =	swait.ge [sflag:s9], $0xA00  }
0x82: {  	[sflag:s9] =	ssyncset.done $0x0  }
0x83: {  	s18 =	rddreg [dreg:$0x10];
	[sflag:s9] =	ssyncadd.s32 $0xFFFFF600  }
0x84: {  	[tilespmem:s11], [sflag:$0x2] =	stream.linear.gather [hbm4b:s18+s19], $0xA00, $0x38;
	[tilespmem:$0x1A800] =	vst v63  }
0x85: {  	_ =	swait.ge [sflag:s9], $0xA00  }
0x86: {  	[sflag:s9] =	ssyncset.done $0x0  }
0x87: {  	s19 =	simm.s32 $0x14000;
	[sflag:s9] =	ssyncadd.s32 $0xFFFFF600  }
0x88: {  	[tilespmem:s13], [sflag:$0x1] =	stream.indirect.gather [hbm4b:s4+s12], $0x80, s19, s12, $0xb8;
	[tilespmem:$0x1A800] =	vst v63  }
0x89: {  	_ =	swait.ge [sflag:s14], $0x4000  }
0x8a: {  	[sflag:s14] =	ssyncset.done $0x0  }
0x8b: {  	s20 =	simm.s32 $0x14C00;
	[sflag:s14] =	ssyncadd.s32 $0xFFFFC000  }
0x8c: {  	[spmem:s2] =	stream.indirect.scatter.add.f32 [tilespmem:s13], [sflag:$0x2], $0x80, s20, s12, $0xb8;
	[tilespmem:$0x1A800] =	vst v63  }
0x8d: {  	_ =	swait.ge [sflag:s9], $0x4000  }
0x8e: {  	s5 =	simm.s32 $0x400;
	s16 =	simm.s32 $0x80;
	[sflag:s9] =	ssyncset.done $0x0  }
.LBB2_4:
0x8f: {  	s18 =	sadd.s32 $0x14000, s16  }
0x90: {  	[sflag:s9] =	ssyncadd.s32 $0xFFFFC000;
	s19 =	smov.u32 s5;
	s20 =	sadd.s32 $0x200, s5  }
0x91: {  	[tilespmem:s13], [sflag:$0x1] =	stream.indirect.gather [hbm4b:s4+s12], $0x80, s18, s12, $0xb8;
	[tilespmem:$0x1A800] =	vst v63  }
0x92: {  	p0 =	sne.s32 s5, $0x2600;
	_ =	swait.ge [sflag:s14], $0x4000  }
.Ltmp1:
0x93: {  	[sflag:s14] =	ssyncset.done $0x0;
	(pc) =	sbr.rel @p0 .LBB2_4-.Ltmp1, $4  }
0x94: {  	s5 =	sadd.s32 $0x14C00, s16;
	[sflag:s14] =	ssyncadd.s32 $0xFFFFC000  }
0x95: {  	[spmem:s2] =	stream.indirect.scatter.add.f32 [tilespmem:s13], [sflag:$0x2], $0x80, s5, s12, $0xb8;
	[tilespmem:$0x1A800] =	vst v63  }
0x96: {  	_ =	swait.ge [sflag:s9], $0x4000  }
0x97: {  	s16 =	sshra.s32 s19, $0x2;
	s5 =	smov.u32 s20;
	[sflag:s9] =	ssyncset.done $0x0  }
0x98: {  	s5 =	sadd.s32 $0x14000, s16;
	[sflag:s9] =	ssyncadd.s32 $0xFFFFC000  }
0x99: {  	[tilespmem:s13], [sflag:$0x1] =	stream.indirect.gather [hbm4b:s4+s12], $0x80, s5, s12, $0xb8;
	[tilespmem:$0x1A800] =	vst v63  }
0x9a: {  	_ =	swait.ge [sflag:s14], $0x4000  }
0x9b: {  	[sflag:s14] =	ssyncset.done $0x0  }
0x9c: {  	s18 =	sadd.s32 $0x14C00, s16;
	[sflag:s14] =	ssyncadd.s32 $0xFFFFC000  }
0x9d: {  	[spmem:s2] =	stream.indirect.scatter.add.f32 [tilespmem:s13], [sflag:$0x2], $0x80, s18, s12, $0xb8;
	[tilespmem:$0x1A800] =	vst v63  }
0x9e: {  	_ =	swait.ge [sflag:s9], $0x4000  }
0x9f: {  	[sflag:s9] =	ssyncset.done $0x0  }
0xa0: {  	s19 =	simm.s32 $0x0;
	s20 =	rddreg [dreg:$0x11];
	[sflag:s9] =	ssyncadd.s32 $0xFFFFC000  }
0xa1: {  	[tilespmem:s10], [sflag:$0x2] =	stream.linear.gather [hbm4b:s20+s19], $0xA00, $0x38;
	[tilespmem:$0x1A800] =	vst v63  }
0xa2: {  	_ =	swait.ge [sflag:s9], $0xA00  }
0xa3: {  	[sflag:s9] =	ssyncset.done $0x0  }
0xa4: {  	s18 =	rddreg [dreg:$0x12];
	[sflag:s9] =	ssyncadd.s32 $0xFFFFF600  }
0xa5: {  	[tilespmem:s11], [sflag:$0x2] =	stream.linear.gather [hbm4b:s18+s19], $0xA00, $0x38;
	[tilespmem:$0x1A800] =	vst v63  }
0xa6: {  	_ =	swait.ge [sflag:s9], $0xA00  }
0xa7: {  	[sflag:s9] =	ssyncset.done $0x0  }
0xa8: {  	s19 =	simm.s32 $0x14000;
	[sflag:s9] =	ssyncadd.s32 $0xFFFFF600  }
0xa9: {  	[tilespmem:s13], [sflag:$0x1] =	stream.indirect.gather [hbm4b:s4+s12], $0x80, s19, s12, $0xb8;
	[tilespmem:$0x1A800] =	vst v63  }
0xaa: {  	_ =	swait.ge [sflag:s14], $0x4000  }
0xab: {  	[sflag:s14] =	ssyncset.done $0x0  }
0xac: {  	s20 =	simm.s32 $0x14C00;
	[sflag:s14] =	ssyncadd.s32 $0xFFFFC000  }
0xad: {  	[spmem:s2] =	stream.indirect.scatter.add.f32 [tilespmem:s13], [sflag:$0x2], $0x80, s20, s12, $0xb8;
	[tilespmem:$0x1A800] =	vst v63  }
0xae: {  	_ =	swait.ge [sflag:s9], $0x4000  }
0xaf: {  	s16 =	simm.s32 $0x80;
	s5 =	simm.s32 $0x400;
	[sflag:s9] =	ssyncset.done $0x0  }
.LBB2_6:
0xb0: {  	s18 =	sadd.s32 $0x14000, s16  }
0xb1: {  	[sflag:s9] =	ssyncadd.s32 $0xFFFFC000;
	s19 =	smov.u32 s5;
	s20 =	sadd.s32 $0x200, s5  }
0xb2: {  	[tilespmem:s13], [sflag:$0x1] =	stream.indirect.gather [hbm4b:s4+s12], $0x80, s18, s12, $0xb8;
	[tilespmem:$0x1A800] =	vst v63  }
0xb3: {  	p0 =	sne.s32 s5, $0x2600;
	_ =	swait.ge [sflag:s14], $0x4000  }
.Ltmp2:
0xb4: {  	[sflag:s14] =	ssyncset.done $0x0;
	(pc) =	sbr.rel @p0 .LBB2_6-.Ltmp2, $4  }
0xb5: {  	s5 =	sadd.s32 $0x14C00, s16;
	[sflag:s14] =	ssyncadd.s32 $0xFFFFC000  }
0xb6: {  	[spmem:s2] =	stream.indirect.scatter.add.f32 [tilespmem:s13], [sflag:$0x2], $0x80, s5, s12, $0xb8;
	[tilespmem:$0x1A800] =	vst v63  }
0xb7: {  	_ =	swait.ge [sflag:s9], $0x4000  }
0xb8: {  	s16 =	sshra.s32 s19, $0x2;
	s5 =	smov.u32 s20;
	[sflag:s9] =	ssyncset.done $0x0  }
0xb9: {  	s5 =	sadd.s32 $0x14000, s16;
	[sflag:s9] =	ssyncadd.s32 $0xFFFFC000  }
0xba: {  	[tilespmem:s13], [sflag:$0x1] =	stream.indirect.gather [hbm4b:s4+s12], $0x80, s5, s12, $0xb8;
	[tilespmem:$0x1A800] =	vst v63  }
0xbb: {  	_ =	swait.ge [sflag:s14], $0x4000  }
0xbc: {  	[sflag:s14] =	ssyncset.done $0x0  }
0xbd: {  	s19 =	sadd.s32 $0x14C00, s16;
	[sflag:s14] =	ssyncadd.s32 $0xFFFFC000  }
0xbe: {  	[spmem:s2] =	stream.indirect.scatter.add.f32 [tilespmem:s13], [sflag:$0x2], $0x80, s19, s12, $0xb8;
	[tilespmem:$0x1A800] =	vst v63  }
0xbf: {  	_ =	swait.ge [sflag:s9], $0x4000  }
0xc0: {  	[sflag:s9] =	ssyncset.done $0x0  }
0xc1: {  	s20 =	simm.s32 $0x0;
	s18 =	rddreg [dreg:$0x13];
	[sflag:s9] =	ssyncadd.s32 $0xFFFFC000  }
0xc2: {  	[tilespmem:s10], [sflag:$0x2] =	stream.linear.gather [hbm4b:s18+s20], $0xA00, $0x38;
	[tilespmem:$0x1A800] =	vst v63  }
0xc3: {  	_ =	swait.ge [sflag:s9], $0xA00  }
0xc4: {  	[sflag:s9] =	ssyncset.done $0x0  }
0xc5: {  	[sflag:s9] =	ssyncadd.s32 $0xFFFFF600  }
0xc6: {  	[tilespmem:s11], [sflag:$0x2] =	stream.linear.gather [hbm4b:s21+s20], $0xA00, $0x38;
	[tilespmem:$0x1A800] =	vst v63  }
0xc7: {  	_ =	swait.ge [sflag:s9], $0xA00  }
0xc8: {  	[sflag:s9] =	ssyncset.done $0x0  }
0xc9: {  	s19 =	simm.s32 $0x14000;
	[sflag:s9] =	ssyncadd.s32 $0xFFFFF600  }
0xca: {  	[tilespmem:s13], [sflag:$0x1] =	stream.indirect.gather [hbm4b:s4+s12], $0x80, s19, s12, $0xb8;
	[tilespmem:$0x1A800] =	vst v63  }
0xcb: {  	_ =	swait.ge [sflag:s14], $0x4000  }
0xcc: {  	[sflag:s14] =	ssyncset.done $0x0  }
0xcd: {  	s20 =	simm.s32 $0x14C00;
	[sflag:s14] =	ssyncadd.s32 $0xFFFFC000  }
0xce: {  	[spmem:s2] =	stream.indirect.scatter.add.f32 [tilespmem:s13], [sflag:$0x2], $0x80, s20, s12, $0xb8;
	[tilespmem:$0x1A800] =	vst v63  }
0xcf: {  	_ =	swait.ge [sflag:s9], $0x4000  }
0xd0: {  	s16 =	simm.s32 $0x80;
	s5 =	simm.s32 $0x400;
	[sflag:s9] =	ssyncset.done $0x0  }
.LBB2_8:
0xd1: {  	s18 =	sadd.s32 $0x14000, s16  }
0xd2: {  	[sflag:s9] =	ssyncadd.s32 $0xFFFFC000;
	s19 =	smov.u32 s5;
	s20 =	sadd.s32 $0x200, s5  }
0xd3: {  	[tilespmem:s13], [sflag:$0x1] =	stream.indirect.gather [hbm4b:s4+s12], $0x80, s18, s12, $0xb8;
	[tilespmem:$0x1A800] =	vst v63  }
0xd4: {  	p0 =	sne.s32 s5, $0x2600;
	_ =	swait.ge [sflag:s14], $0x4000  }
.Ltmp3:
0xd5: {  	[sflag:s14] =	ssyncset.done $0x0;
	(pc) =	sbr.rel @p0 .LBB2_8-.Ltmp3, $4  }
0xd6: {  	s5 =	sadd.s32 $0x14C00, s16;
	[sflag:s14] =	ssyncadd.s32 $0xFFFFC000  }
0xd7: {  	[spmem:s2] =	stream.indirect.scatter.add.f32 [tilespmem:s13], [sflag:$0x2], $0x80, s5, s12, $0xb8;
	[tilespmem:$0x1A800] =	vst v63  }
0xd8: {  	_ =	swait.ge [sflag:s9], $0x4000  }
0xd9: {  	s16 =	sshra.s32 s19, $0x2;
	s5 =	smov.u32 s20;
	[sflag:s9] =	ssyncset.done $0x0  }
0xda: {  	s5 =	sadd.s32 $0x14000, s16;
	[sflag:s9] =	ssyncadd.s32 $0xFFFFC000  }
0xdb: {  	[tilespmem:s13], [sflag:$0x1] =	stream.indirect.gather [hbm4b:s4+s12], $0x80, s5, s12, $0xb8;
	[tilespmem:$0x1A800] =	vst v63  }
0xdc: {  	_ =	swait.ge [sflag:s14], $0x4000  }
0xdd: {  	[sflag:s14] =	ssyncset.done $0x0  }
0xde: {  	s16 =	sadd.s32 $0x14C00, s16;
	[sflag:s14] =	ssyncadd.s32 $0xFFFFC000  }
0xdf: {  	[spmem:s2] =	stream.indirect.scatter.add.f32 [tilespmem:s13], [sflag:$0x2], $0x80, s16, s12, $0xb8;
	[tilespmem:$0x1A800] =	vst v63  }
0xe0: {  	_ =	swait.ge [sflag:s9], $0x4000  }
0xe1: {  	[sflag:s9] =	ssyncset.done $0x0  }
0xe2: {  	s18 =	simm.s32 $0x0;
	[sflag:s9] =	ssyncadd.s32 $0xFFFFC000  }
0xe3: {  	[tilespmem:s10], [sflag:$0x2] =	stream.linear.gather [hbm4b:s22+s18], $0xA00, $0x38;
	[tilespmem:$0x1A800] =	vst v63  }
0xe4: {  	_ =	swait.ge [sflag:s9], $0xA00  }
0xe5: {  	[sflag:s9] =	ssyncset.done $0x0  }
0xe6: {  	[sflag:s9] =	ssyncadd.s32 $0xFFFFF600  }
0xe7: {  	[tilespmem:s11], [sflag:$0x2] =	stream.linear.gather [hbm4b:s23+s18], $0xA00, $0x38;
	[tilespmem:$0x1A800] =	vst v63  }
0xe8: {  	_ =	swait.ge [sflag:s9], $0xA00  }
0xe9: {  	[sflag:s9] =	ssyncset.done $0x0  }
0xea: {  	s19 =	simm.s32 $0x14000;
	[sflag:s9] =	ssyncadd.s32 $0xFFFFF600  }
0xeb: {  	[tilespmem:s13], [sflag:$0x1] =	stream.indirect.gather [hbm4b:s4+s12], $0x80, s19, s12, $0xb8;
	[tilespmem:$0x1A800] =	vst v63  }
0xec: {  	_ =	swait.ge [sflag:s14], $0x4000  }
0xed: {  	[sflag:s14] =	ssyncset.done $0x0  }
0xee: {  	s20 =	simm.s32 $0x14C00;
	[sflag:s14] =	ssyncadd.s32 $0xFFFFC000  }
0xef: {  	[spmem:s2] =	stream.indirect.scatter.add.f32 [tilespmem:s13], [sflag:$0x2], $0x80, s20, s12, $0xb8;
	[tilespmem:$0x1A800] =	vst v63  }
0xf0: {  	_ =	swait.ge [sflag:s9], $0x4000  }
0xf1: {  	s5 =	simm.s32 $0x400;
	s16 =	simm.s32 $0x80;
	[sflag:s9] =	ssyncset.done $0x0  }
.LBB2_10:
0xf2: {  	s18 =	sadd.s32 $0x14000, s16  }
0xf3: {  	[sflag:s9] =	ssyncadd.s32 $0xFFFFC000;
	s19 =	smov.u32 s5;
	s20 =	sadd.s32 $0x200, s5  }
0xf4: {  	[tilespmem:s13], [sflag:$0x1] =	stream.indirect.gather [hbm4b:s4+s12], $0x80, s18, s12, $0xb8;
	[tilespmem:$0x1A800] =	vst v63  }
0xf5: {  	p0 =	sne.s32 s5, $0x2600;
	_ =	swait.ge [sflag:s14], $0x4000  }
.Ltmp4:
0xf6: {  	[sflag:s14] =	ssyncset.done $0x0;
	(pc) =	sbr.rel @p0 .LBB2_10-.Ltmp4, $4  }
0xf7: {  	s5 =	sadd.s32 $0x14C00, s16;
	[sflag:s14] =	ssyncadd.s32 $0xFFFFC000  }
0xf8: {  	[spmem:s2] =	stream.indirect.scatter.add.f32 [tilespmem:s13], [sflag:$0x2], $0x80, s5, s12, $0xb8;
	[tilespmem:$0x1A800] =	vst v63  }
0xf9: {  	_ =	swait.ge [sflag:s9], $0x4000  }
0xfa: {  	s16 =	sshra.s32 s19, $0x2;
	s5 =	smov.u32 s20;
	[sflag:s9] =	ssyncset.done $0x0  }
0xfb: {  	s5 =	sadd.s32 $0x14000, s16;
	[sflag:s9] =	ssyncadd.s32 $0xFFFFC000  }
0xfc: {  	[tilespmem:s13], [sflag:$0x1] =	stream.indirect.gather [hbm4b:s4+s12], $0x80, s5, s12, $0xb8;
	[tilespmem:$0x1A800] =	vst v63  }
0xfd: {  	_ =	swait.ge [sflag:s14], $0x4000  }
0xfe: {  	[sflag:s14] =	ssyncset.done $0x0  }
0xff: {  	s19 =	sadd.s32 $0x14C00, s16;
	[sflag:s14] =	ssyncadd.s32 $0xFFFFC000  }
0x100: {  	[spmem:s2] =	stream.indirect.scatter.add.f32 [tilespmem:s13], [sflag:$0x2], $0x80, s19, s12, $0xb8;
	[tilespmem:$0x1A800] =	vst v63  }
0x101: {  	_ =	swait.ge [sflag:s9], $0x4000  }
0x102: {  	[sflag:s9] =	ssyncset.done $0x0  }
0x103: {  	[sflag:s9] =	ssyncadd.s32 $0xFFFFC000  }
0x104: {  	[bflag:$0x0] =	sbarrier.arrive $0xFFFF  }
0x105: {  	[tilespmem:s8], [sflag:$0x2] =	stream.linear.gather [spmem:s17], $0x1000, $0x38;
	[tilespmem:$0x1A800] =	vst v63  }
0x106: {  	_ =	swait.ge [sflag:s9], $0x1000  }
0x107: {  	[sflag:s9] =	ssyncset.done $0x0  }
0x108: {  	s20 =	sadd.s32 $0x0, s25;
	[sflag:s9] =	ssyncadd.s32 $0xFFFFF000  }
0x109: {  	[hbm4b:s20+s3] =	stream.linear.scatter [tilespmem:s8], [sflag:$0x2], $0x1000, $0x38;
	[tilespmem:$0x1A800] =	vst v63  }
0x10a: {  	_ =	swait.ge [sflag:s9], $0x1000  }
0x10b: {  	s16 =	simm.s32 $0x200;
	s5 =	smov.u32 s17;
	[sflag:s9] =	ssyncset.done $0x0  }
.LBB2_12:
0x10c: {  	p0 =	sne.s32 s16, $0x2600;
	[sflag:s9] =	ssyncadd.s32 $0xFFFFF000;
	s5 =	sadd.s32 $0x1000, s5  }
0x10d: {  	[tilespmem:s8], [sflag:$0x2] =	stream.linear.gather [spmem:s5], $0x1000, $0x38;
	[tilespmem:$0x1A800] =	vst v63  }
0x10e: {  	s18 =	smov.u32 s16;
	s16 =	sadd.s32 $0x200, s16;
	_ =	swait.ge [sflag:s9], $0x1000  }
.Ltmp5:
0x10f: {  	[sflag:s9] =	ssyncset.done $0x0;
	(pc) =	sbr.rel @p0 .LBB2_12-.Ltmp5, $4  }
0x110: {  	s18 =	sadd.s32 s18, s25;
	[sflag:s9] =	ssyncadd.s32 $0xFFFFF000  }
0x111: {  	[hbm4b:s18+s3] =	stream.linear.scatter [tilespmem:s8], [sflag:$0x2], $0x1000, $0x38;
	[tilespmem:$0x1A800] =	vst v63  }
0x112: {  	_ =	swait.ge [sflag:s9], $0x1000  }
0x113: {  	[sflag:s9] =	ssyncset.done $0x0  }
0x114: {  	s15 =	sadd.s32 $0x1, s15;
	s5 =	rddreg [dreg:$0x5]  }
0x115: {  	p0 =	sne.s32 s15, s5  }
.Ltmp6:
0x116: {  	_ = 	snop;
	(pc) =	sbr.rel @p0 .LBB2_1-.Ltmp6, $2  }
0x117: {  	_ =	sdelay $0x2  }
0x118: {  	[sflag:s9] =	ssyncadd.s32 $0xFFFFF000  }
0x119: {  	_ =	sfence.sel $0x180000  }
0x11a: {  	[bflag:$0x0] =	sbarrier.arrive $0xFFFF  }
0x11b: {  	_ =	strace $0x9000004A  }
0x11c: {  	s0 =	stileid.u32;
	[bflag:$0x2] =	sbarrier.arrive $0xFFFF  }
0x11d: {  	p0 =	sne.s32 s0, $0x0;
	s0 =	rddreg [dreg:$0x4]  }
0x11e: {  	s0 =	sadd.s32 @!p0 $0x100000, s0  }
0x11f: {  	[sflag:s0] =	ssyncadd.tile.s32 @!p0 $0x1;
	_ =	shalt  }
.Lfunc_end2:
_tile_overlayer_lowered:
.L_overlay_start_2:
0x120: {  	(tag) =	ssettag $0x2  }
0x121: {  	s0 =	rddreg [dreg:$0x0];
	s2 =	stileid.u32  }
0x122: {  	s1 =	rddreg [dreg:$0x1];
	p0 =	sne.s32 s2, $0x0  }
0x123: {  	s3 =	rddreg [dreg:$0x2];
	[bflag:$0x3] =	sbarrier.arrive $0xFFFF;
	s2 =	simm.s32 @!p0 $0x1C02  }
0x124: {  	[timem:s3], [sflag:s2] =	dma.local @!p0 [hbm:s0], s1  }
0x125: {  	s0 =	simm.s32 @!p0 $0x2  }
0x126: {  	_ =	swait.ge @!p0 [sflag:s0], s1  }
0x127: {  	s1 =	ssub.s32 @!p0 $0x0, s1;
	[sflag:s0] =	ssyncset.done @!p0 $0x0  }
0x128: {  	[sflag:s0] =	ssyncadd.s32 @!p0 s1  }
0x129: {  	[bflag:$0x3] =	sbarrier.arrive $0xFFFF  }
0x12a: {  	_ =	shalt  }

</sc_bundles>
